<compile_context>
chip_gen: v7x
topology: tpu7x:2x2x1
jax: 0.10.2.dev20260603
libtpu: 0.0.44.dev20260713+nightly
codegen_flags: <defaults>
</compile_context>

<pallas_src>
import functools

import jax
import jax.numpy as jnp
from jax import lax
from jax.experimental import pallas as pl
from jax.experimental.pallas import tpu as pltpu
from jax.experimental.pallas import tpu_sc as plsc

N = 10000
E = 320000
NC = 2
NS = 16
NW = NC * NS
EPW = E // NW
CH = 125
NCH = EPW // CH
RA = 624
LAST_BASE = RA * (NS - 1)
LAST_ROWS = N - LAST_BASE


def _tilewise_copy(s, src_at, dst_at):

    @pl.when(s < NS - 1)
    def _():
        pltpu.sync_copy(src_at(s * RA, RA), dst_at(s * RA, RA))

    @pl.when(s == NS - 1)
    def _():
        pltpu.sync_copy(src_at(LAST_BASE, LAST_ROWS), dst_at(LAST_BASE, LAST_ROWS))

_MESH = plsc.VectorSubcoreMesh(
    core_axis_name="c", subcore_axis_name="s", num_cores=NC, num_subcores=NS
)


@functools.partial(
    pl.kernel,
    out_type=jax.ShapeDtypeStruct((NC, N, 16), jnp.float32),
    mesh=_MESH,
    scratch_types=[
        pltpu.VMEM((NCH, CH), jnp.int32),
        pltpu.VMEM((CH, 16), jnp.float32),
        pltpu.VMEM_SHARED((N, 16), jnp.float32),
    ],
)
def _deg_kernel(dst_hbm, ones_hbm, zeros_hbm, out_hbm, dst_v, ones_v, acc):
    c = lax.axis_index("c")
    s = lax.axis_index("s")
    wid = s * NC + c
    _tilewise_copy(s, lambda b, r: zeros_hbm.at[pl.ds(b, r)],
                   lambda b, r: acc.at[pl.ds(b, r)])
    pltpu.sync_copy(dst_hbm.at[wid], dst_v)
    pltpu.sync_copy(ones_hbm, ones_v)
    plsc.subcore_barrier()

    def step(j, carry):
        pltpu.sync_copy(ones_v, acc.at[dst_v.at[j]], add=True)
        return carry

    lax.fori_loop(0, NCH, step, 0)
    plsc.subcore_barrier()
    _tilewise_copy(s, lambda b, r: acc.at[pl.ds(b, r)],
                   lambda b, r: out_hbm.at[c, pl.ds(b, r)])


def _make_aggregate(F):
    @functools.partial(
        pl.kernel,
        out_type=jax.ShapeDtypeStruct((NC, N, F), jnp.float32),
        mesh=_MESH,
        scratch_types=[
            pltpu.VMEM((NCH, CH), jnp.int32),
            pltpu.VMEM((NCH, CH), jnp.int32),
            pltpu.VMEM((CH, F), jnp.float32),
            pltpu.VMEM_SHARED((N, F), jnp.float32),
            pltpu.SemaphoreType.DMA,
        ],
    )
    def agg(table_hbm, src_hbm, dst_hbm, zeros_hbm, out_hbm,
            src_v, dst_v, rows, acc, sem):
        c = lax.axis_index("c")
        s = lax.axis_index("s")
        wid = s * NC + c
        _tilewise_copy(s, lambda b, r: zeros_hbm.at[pl.ds(b, r)],
                       lambda b, r: acc.at[pl.ds(b, r)])
        pltpu.sync_copy(src_hbm.at[wid], src_v)
        pltpu.sync_copy(dst_hbm.at[wid], dst_v)
        plsc.subcore_barrier()

        def step(j, carry):
            pltpu.async_copy(table_hbm.at[src_v.at[j]], rows, sem).wait()
            pltpu.sync_copy(rows, acc.at[dst_v.at[j]], add=True)
            return carry

        lax.fori_loop(0, NCH, step, 0)
        plsc.subcore_barrier()
        _tilewise_copy(s, lambda b, r: acc.at[pl.ds(b, r)],
                       lambda b, r: out_hbm.at[c, pl.ds(b, r)])

    return agg


_agg128 = _make_aggregate(128)

_B = 2000


def _mm_scale_body(x_ref, w_ref, d0_ref, d1_ref, o_ref):
    dinv = lax.rsqrt(d0_ref[...][:, :1] + d1_ref[...][:, :1] + 1.0)
    o_ref[...] = (
        jnp.dot(x_ref[...], w_ref[...], preferred_element_type=jnp.float32) * dinv
    )


def _mm_scale(x, w, d0, d1):
    K = x.shape[1]
    M = w.shape[1]
    return pl.pallas_call(
        _mm_scale_body,
        grid=(N // _B,),
        in_specs=[
            pl.BlockSpec((_B, K), lambda i: (i, 0)),
            pl.BlockSpec((K, M), lambda i: (0, 0)),
            pl.BlockSpec((_B, 16), lambda i: (i, 0)),
            pl.BlockSpec((_B, 16), lambda i: (i, 0)),
        ],
        out_specs=pl.BlockSpec((_B, M), lambda i: (i, 0)),
        out_shape=jax.ShapeDtypeStruct((N, M), jnp.float32),
    )(x, w, d0, d1)


def _layer_mid_body(p0_ref, p1_ref, hs_ref, d0_ref, d1_ref, b_ref, w_ref, o_ref):
    dinv = lax.rsqrt(d0_ref[...][:, :1] + d1_ref[...][:, :1] + 1.0)
    h = jnp.maximum(
        (p0_ref[...] + p1_ref[...] + hs_ref[...]) * dinv + b_ref[...], 0.0
    )
    o_ref[...] = (
        jnp.dot(h, w_ref[...], preferred_element_type=jnp.float32) * dinv
    )


def _layer_mid(p0, p1, hs, d0, d1, b, w):
    K = hs.shape[1]
    M = w.shape[1]
    return pl.pallas_call(
        _layer_mid_body,
        grid=(N // _B,),
        in_specs=[
            pl.BlockSpec((_B, K), lambda i: (i, 0)),
            pl.BlockSpec((_B, K), lambda i: (i, 0)),
            pl.BlockSpec((_B, K), lambda i: (i, 0)),
            pl.BlockSpec((_B, 16), lambda i: (i, 0)),
            pl.BlockSpec((_B, 16), lambda i: (i, 0)),
            pl.BlockSpec((1, K), lambda i: (0, 0)),
            pl.BlockSpec((K, M), lambda i: (0, 0)),
        ],
        out_specs=pl.BlockSpec((_B, M), lambda i: (i, 0)),
        out_shape=jax.ShapeDtypeStruct((N, M), jnp.float32),
    )(p0, p1, hs, d0, d1, b, w)


def _final_body(p0_ref, p1_ref, hs_ref, d0_ref, d1_ref, b_ref, o_ref):
    dinv = lax.rsqrt(d0_ref[...][:, :1] + d1_ref[...][:, :1] + 1.0)
    M = o_ref.shape[1]
    s = (p0_ref[...][:, :M] + p1_ref[...][:, :M] + hs_ref[...][:, :M])
    o_ref[...] = s * dinv + b_ref[...]


def _final(p0, p1, hs, d0, d1, b):
    M = b.shape[1]
    K = hs.shape[1]
    return pl.pallas_call(
        _final_body,
        grid=(N // _B,),
        in_specs=[
            pl.BlockSpec((_B, K), lambda i: (i, 0)),
            pl.BlockSpec((_B, K), lambda i: (i, 0)),
            pl.BlockSpec((_B, K), lambda i: (i, 0)),
            pl.BlockSpec((_B, 16), lambda i: (i, 0)),
            pl.BlockSpec((_B, 16), lambda i: (i, 0)),
            pl.BlockSpec((1, M), lambda i: (0, 0)),
        ],
        out_specs=pl.BlockSpec((_B, M), lambda i: (i, 0)),
        out_shape=jax.ShapeDtypeStruct((N, M), jnp.float32),
    )(p0, p1, hs, d0, d1, b)


def kernel(x, edge_index, W1, b1, W2, b2):
    ei = edge_index.astype(jnp.int32)
    src = ei[0].reshape(NW, NCH, CH)
    dst = ei[1].reshape(NW, NCH, CH)

    ones16 = jnp.ones((CH, 16), jnp.float32)
    zeros16 = jnp.zeros((N, 16), jnp.float32)
    zeros128 = jnp.zeros((N, 128), jnp.float32)
    W2p = jnp.pad(W2, ((0, 0), (0, 128 - W2.shape[1])))

    degp = _deg_kernel(dst, ones16, zeros16)
    d0 = degp[0]
    d1 = degp[1]

    hs1 = _mm_scale(x, W1, d0, d1)
    p1 = _agg128(hs1, src, dst, zeros128)
    hs2 = _layer_mid(p1[0], p1[1], hs1, d0, d1, b1.reshape(1, -1), W2p)
    p2 = _agg128(hs2, src, dst, zeros128)
    z = _final(p2[0], p2[1], hs2, d0, d1, b2.reshape(1, -1))
    return z

# --- scband reference (transcript-rebuilt; emitter-appended) ---
"""Pipeline reference for scband-graph-autoencoder-10264971837865 (READ-ONLY COPY).

The authoritative reference and input builder live on the scoring server;
editing this copy changes nothing except your own understanding.
"""

import jax, jax.numpy as jnp
import numpy as np

NUM_NODES = 10000
NUM_EDGES = 320000
IN_DIM = 128
HID_DIM = 128
EMB_DIM = 64


def gcn_conv(x, edge_index, W, b, num_nodes):
    # PyG GCNConv: add self-loops, symmetric normalization, linear, scatter-add, bias
    sl = jnp.arange(num_nodes, dtype=edge_index.dtype)
    src = jnp.concatenate([edge_index[0], sl])
    dst = jnp.concatenate([edge_index[1], sl])
    deg = jnp.zeros((num_nodes,), dtype=x.dtype).at[dst].add(1.0)
    dinv = jnp.where(deg > 0, 1.0 / jnp.sqrt(deg), 0.0)
    norm = dinv[src] * dinv[dst]
    h = x @ W
    msg = h[src] * norm[:, None]
    out = jnp.zeros((num_nodes, h.shape[1]), dtype=x.dtype).at[dst].add(msg)
    return out + b


def setup_inputs(seed: int = 0) -> dict:
    key = jax.random.key(seed)
    k1, k2, k3, k4, k5, k6 = jax.random.split(key, 6)
    x = jax.random.normal(k1, (NUM_NODES, IN_DIM), dtype=jnp.float32)
    edge_index = jax.random.randint(k2, (2, NUM_EDGES), 0, NUM_NODES, dtype=jnp.int64)
    s1 = 1.0 / np.sqrt(IN_DIM)
    s2 = 1.0 / np.sqrt(HID_DIM)
    W1 = jax.random.uniform(k3, (IN_DIM, HID_DIM), minval=-s1, maxval=s1, dtype=jnp.float32)
    b1 = jax.random.uniform(k4, (HID_DIM,), minval=-s1, maxval=s1, dtype=jnp.float32)
    W2 = jax.random.uniform(k5, (HID_DIM, EMB_DIM), minval=-s2, maxval=s2, dtype=jnp.float32)
    b2 = jax.random.uniform(k6, (EMB_DIM,), minval=-s2, maxval=s2, dtype=jnp.float32)
    return {"x": x, "edge_index": edge_index, "W1": W1, "b1": b1, "W2": W2, "b2": b2}


def reference(x, edge_index, W1, b1, W2, b2):
    num_nodes = x.shape[0]
    h = gcn_conv(x, edge_index, W1, b1, num_nodes)
    h = jax.nn.relu(h)
    z = gcn_conv(h, edge_index, W2, b2, num_nodes)
    return z

if __name__ == "__main__":
    import jax
    _d = setup_inputs()
    print(jax.jit(kernel)(*tuple(_d.values())))

</pallas_src>

<mosaic_0001>
#map = affine_map<(d0, d1) -> (0, 0)>
#map1 = affine_map<(d0, d1) -> (0, 0, 0)>
module attributes {stable_mosaic.version = 14 : i64} {
  func.func @agg(%arg0: i32, %arg1: i32, %arg2: memref<10000x128xf32, #tpu.memory_space<hbm>>, %arg3: memref<32x80x125xi32, #tpu.memory_space<hbm>>, %arg4: memref<32x80x125xi32, #tpu.memory_space<hbm>>, %arg5: memref<10000x128xf32, #tpu.memory_space<hbm>>, %arg6: memref<2x10000x128xf32, #tpu.memory_space<hbm>>, %arg7: memref<80x125xi32, #tpu.memory_space<vmem>>, %arg8: memref<80x125xi32, #tpu.memory_space<vmem>>, %arg9: memref<125x128xf32, #tpu.memory_space<vmem>>, %arg10: memref<10000x128xf32, #tpu.memory_space<vmem_shared>>, %arg11: memref<!tpu.dma_semaphore, #tpu.memory_space<semaphore_mem>>) attributes {dimension_semantics = [#tpu.dimension_semantics<core_parallel>, #tpu.dimension_semantics<subcore_parallel>], iteration_bounds = array<i64: 2, 16>, scalar_prefetch = 0 : i64, scratch_operands = 5 : i64, tpu.core_type = #tpu.core_type<sc_vector_subcore>, window_params = [{transform_indices = #map}, {transform_indices = #map1}, {transform_indices = #map1}, {transform_indices = #map}, {transform_indices = #map1}]} {
    %mul3A = arith.constant 2 : i32
    %mul3A_0 = arith.muli %arg1, %mul3A : i32
    %add3A = arith.addi %mul3A_0, %arg0 : i32
    %lt3A = arith.constant 15 : i32
    %lt3A_1 = arith.cmpi slt, %arg1, %lt3A : i32
    %convert_element_type3A = arith.extui %lt3A_1 : i1 to i32
    %cond3A = arith.constant 0 : i32
    %cond3A_2 = arith.cmpi ne, %convert_element_type3A, %cond3A : i32
    scf.if %cond3A_2 {
      %mul3A_23 = arith.constant 624 : i32
      %mul3A_24 = arith.muli %arg1, %mul3A_23 : i32
      %mul3A_25 = arith.constant 624 : i32
      %mul3A_26 = arith.muli %arg1, %mul3A_25 : i32
      "tpu.region"() ({
        %run_scoped3A = tpu.sem_alloc : memref<!tpu.dma_semaphore, #tpu.memory_space<semaphore_mem>>
        %dma_start3A = arith.constant 0 : i32
        %dma_start3A_27 = tpu.memref_slice %arg10[%mul3A_26, %dma_start3A] : memref<10000x128xf32, #tpu.memory_space<vmem_shared>> -> memref<624x128xf32, #tpu.memory_space<vmem_shared>>
        %dma_start3A_28 = arith.constant 0 : i32
        %dma_start3A_29 = tpu.memref_slice %arg5[%mul3A_24, %dma_start3A_28] : memref<10000x128xf32, #tpu.memory_space<hbm>> -> memref<624x128xf32, #tpu.memory_space<hbm>>
        tpu.enqueue_dma source(%dma_start3A_29 : memref<624x128xf32, #tpu.memory_space<hbm>>) target(%dma_start3A_27 : memref<624x128xf32, #tpu.memory_space<vmem_shared>>) target_semaphore(%run_scoped3A : memref<!tpu.dma_semaphore, #tpu.memory_space<semaphore_mem>>)
        %dma_wait3A = arith.constant 0 : i32
        %dma_wait3A_30 = tpu.memref_slice %arg10[%mul3A_26, %dma_wait3A] : memref<10000x128xf32, #tpu.memory_space<vmem_shared>> -> memref<624x128xf32, #tpu.memory_space<vmem_shared>>
        %dma_wait3A_31 = arith.constant 0 : i32
        %dma_wait3A_32 = tpu.memref_slice %arg5[%mul3A_24, %dma_wait3A_31] : memref<10000x128xf32, #tpu.memory_space<hbm>> -> memref<624x128xf32, #tpu.memory_space<hbm>>
        tpu.wait_dma2 semaphore(%run_scoped3A : memref<!tpu.dma_semaphore, #tpu.memory_space<semaphore_mem>>) src(%dma_wait3A_32 : memref<624x128xf32, #tpu.memory_space<hbm>>) dst(%dma_wait3A_30 : memref<624x128xf32, #tpu.memory_space<vmem_shared>>)
        tpu.yield
      }) : () -> ()
    } else {
    }
    %eq3A = arith.constant 15 : i32
    %eq3A_3 = arith.cmpi eq, %arg1, %eq3A : i32
    %convert_element_type3A_4 = arith.extui %eq3A_3 : i1 to i32
    %cond3A_5 = arith.constant 0 : i32
    %cond3A_6 = arith.cmpi ne, %convert_element_type3A_4, %cond3A_5 : i32
    scf.if %cond3A_6 {
      "tpu.region"() ({
        %run_scoped3A = tpu.sem_alloc : memref<!tpu.dma_semaphore, #tpu.memory_space<semaphore_mem>>
        %dma_start3A = arith.constant 9360 : i32
        %dma_start3A_23 = arith.constant 0 : i32
        %dma_start3A_24 = tpu.memref_slice %arg10[%dma_start3A, %dma_start3A_23] : memref<10000x128xf32, #tpu.memory_space<vmem_shared>> -> memref<640x128xf32, #tpu.memory_space<vmem_shared>>
        %dma_start3A_25 = arith.constant 9360 : i32
        %dma_start3A_26 = arith.constant 0 : i32
        %dma_start3A_27 = tpu.memref_slice %arg5[%dma_start3A_25, %dma_start3A_26] : memref<10000x128xf32, #tpu.memory_space<hbm>> -> memref<640x128xf32, #tpu.memory_space<hbm>>
        tpu.enqueue_dma source(%dma_start3A_27 : memref<640x128xf32, #tpu.memory_space<hbm>>) target(%dma_start3A_24 : memref<640x128xf32, #tpu.memory_space<vmem_shared>>) target_semaphore(%run_scoped3A : memref<!tpu.dma_semaphore, #tpu.memory_space<semaphore_mem>>)
        %dma_wait3A = arith.constant 9360 : i32
        %dma_wait3A_28 = arith.constant 0 : i32
        %dma_wait3A_29 = tpu.memref_slice %arg10[%dma_wait3A, %dma_wait3A_28] : memref<10000x128xf32, #tpu.memory_space<vmem_shared>> -> memref<640x128xf32, #tpu.memory_space<vmem_shared>>
        %dma_wait3A_30 = arith.constant 9360 : i32
        %dma_wait3A_31 = arith.constant 0 : i32
        %dma_wait3A_32 = tpu.memref_slice %arg5[%dma_wait3A_30, %dma_wait3A_31] : memref<10000x128xf32, #tpu.memory_space<hbm>> -> memref<640x128xf32, #tpu.memory_space<hbm>>
        tpu.wait_dma2 semaphore(%run_scoped3A : memref<!tpu.dma_semaphore, #tpu.memory_space<semaphore_mem>>) src(%dma_wait3A_32 : memref<640x128xf32, #tpu.memory_space<hbm>>) dst(%dma_wait3A_29 : memref<640x128xf32, #tpu.memory_space<vmem_shared>>)
        tpu.yield
      }) : () -> ()
    } else {
    }
    "tpu.region"() ({
      %run_scoped3A = tpu.sem_alloc : memref<!tpu.dma_semaphore, #tpu.memory_space<semaphore_mem>>
      %dma_start3A = arith.constant 0 : i32
      %dma_start3A_23 = arith.constant 0 : i32
      %dma_start3A_24 = tpu.memref_slice %arg3[%add3A, %dma_start3A, %dma_start3A_23] : memref<32x80x125xi32, #tpu.memory_space<hbm>> -> memref<1x80x125xi32, #tpu.memory_space<hbm>>
      %dma_start3A_25 = tpu.memref_squeeze %dma_start3A_24 : memref<1x80x125xi32, #tpu.memory_space<hbm>> -> memref<80x125xi32, #tpu.memory_space<hbm>>
      %dma_start3A_26 = arith.constant 0 : i32
      %dma_start3A_27 = arith.constant 0 : i32
      %dma_start3A_28 = tpu.memref_slice %arg3[%add3A, %dma_start3A_26, %dma_start3A_27] : memref<32x80x125xi32, #tpu.memory_space<hbm>> -> memref<1x80x125xi32, #tpu.memory_space<hbm>>
      %dma_start3A_29 = tpu.memref_squeeze %dma_start3A_28 : memref<1x80x125xi32, #tpu.memory_space<hbm>> -> memref<80x125xi32, #tpu.memory_space<hbm>>
      tpu.enqueue_dma source(%dma_start3A_29 : memref<80x125xi32, #tpu.memory_space<hbm>>) target(%arg7 : memref<80x125xi32, #tpu.memory_space<vmem>>) target_semaphore(%run_scoped3A : memref<!tpu.dma_semaphore, #tpu.memory_space<semaphore_mem>>)
      %dma_wait3A = arith.constant 0 : i32
      %dma_wait3A_30 = arith.constant 0 : i32
      %dma_wait3A_31 = tpu.memref_slice %arg3[%add3A, %dma_wait3A, %dma_wait3A_30] : memref<32x80x125xi32, #tpu.memory_space<hbm>> -> memref<1x80x125xi32, #tpu.memory_space<hbm>>
      %dma_wait3A_32 = tpu.memref_squeeze %dma_wait3A_31 : memref<1x80x125xi32, #tpu.memory_space<hbm>> -> memref<80x125xi32, #tpu.memory_space<hbm>>
      %dma_wait3A_33 = arith.constant 0 : i32
      %dma_wait3A_34 = arith.constant 0 : i32
      %dma_wait3A_35 = tpu.memref_slice %arg3[%add3A, %dma_wait3A_33, %dma_wait3A_34] : memref<32x80x125xi32, #tpu.memory_space<hbm>> -> memref<1x80x125xi32, #tpu.memory_space<hbm>>
      %dma_wait3A_36 = tpu.memref_squeeze %dma_wait3A_35 : memref<1x80x125xi32, #tpu.memory_space<hbm>> -> memref<80x125xi32, #tpu.memory_space<hbm>>
      tpu.wait_dma2 semaphore(%run_scoped3A : memref<!tpu.dma_semaphore, #tpu.memory_space<semaphore_mem>>) src(%dma_wait3A_36 : memref<80x125xi32, #tpu.memory_space<hbm>>) dst(%arg7 : memref<80x125xi32, #tpu.memory_space<vmem>>)
      tpu.yield
    }) : () -> ()
    "tpu.region"() ({
      %run_scoped3A = tpu.sem_alloc : memref<!tpu.dma_semaphore, #tpu.memory_space<semaphore_mem>>
      %dma_start3A = arith.constant 0 : i32
      %dma_start3A_23 = arith.constant 0 : i32
      %dma_start3A_24 = tpu.memref_slice %arg4[%add3A, %dma_start3A, %dma_start3A_23] : memref<32x80x125xi32, #tpu.memory_space<hbm>> -> memref<1x80x125xi32, #tpu.memory_space<hbm>>
      %dma_start3A_25 = tpu.memref_squeeze %dma_start3A_24 : memref<1x80x125xi32, #tpu.memory_space<hbm>> -> memref<80x125xi32, #tpu.memory_space<hbm>>
      %dma_start3A_26 = arith.constant 0 : i32
      %dma_start3A_27 = arith.constant 0 : i32
      %dma_start3A_28 = tpu.memref_slice %arg4[%add3A, %dma_start3A_26, %dma_start3A_27] : memref<32x80x125xi32, #tpu.memory_space<hbm>> -> memref<1x80x125xi32, #tpu.memory_space<hbm>>
      %dma_start3A_29 = tpu.memref_squeeze %dma_start3A_28 : memref<1x80x125xi32, #tpu.memory_space<hbm>> -> memref<80x125xi32, #tpu.memory_space<hbm>>
      tpu.enqueue_dma source(%dma_start3A_29 : memref<80x125xi32, #tpu.memory_space<hbm>>) target(%arg8 : memref<80x125xi32, #tpu.memory_space<vmem>>) target_semaphore(%run_scoped3A : memref<!tpu.dma_semaphore, #tpu.memory_space<semaphore_mem>>)
      %dma_wait3A = arith.constant 0 : i32
      %dma_wait3A_30 = arith.constant 0 : i32
      %dma_wait3A_31 = tpu.memref_slice %arg4[%add3A, %dma_wait3A, %dma_wait3A_30] : memref<32x80x125xi32, #tpu.memory_space<hbm>> -> memref<1x80x125xi32, #tpu.memory_space<hbm>>
      %dma_wait3A_32 = tpu.memref_squeeze %dma_wait3A_31 : memref<1x80x125xi32, #tpu.memory_space<hbm>> -> memref<80x125xi32, #tpu.memory_space<hbm>>
      %dma_wait3A_33 = arith.constant 0 : i32
      %dma_wait3A_34 = arith.constant 0 : i32
      %dma_wait3A_35 = tpu.memref_slice %arg4[%add3A, %dma_wait3A_33, %dma_wait3A_34] : memref<32x80x125xi32, #tpu.memory_space<hbm>> -> memref<1x80x125xi32, #tpu.memory_space<hbm>>
      %dma_wait3A_36 = tpu.memref_squeeze %dma_wait3A_35 : memref<1x80x125xi32, #tpu.memory_space<hbm>> -> memref<80x125xi32, #tpu.memory_space<hbm>>
      tpu.wait_dma2 semaphore(%run_scoped3A : memref<!tpu.dma_semaphore, #tpu.memory_space<semaphore_mem>>) src(%dma_wait3A_36 : memref<80x125xi32, #tpu.memory_space<hbm>>) dst(%arg8 : memref<80x125xi32, #tpu.memory_space<vmem>>)
      tpu.yield
    }) : () -> ()
    %barrier3A = arith.constant 0 : index
    tpu.barrier barrier_id(%barrier3A)
    %scan3A = arith.constant 0 : i32
    %scan3A_7 = arith.constant 0 : i32
    %scan3A_8 = arith.constant 80 : i32
    %scan3A_9 = arith.addi %scan3A_7, %scan3A_8 : i32
    %scan3A_10 = arith.constant 1 : i32
    scf.for %scan3A_23 = %scan3A_7 to %scan3A_9 step %scan3A_10  : i32 {
      %dma_start3A = arith.constant 0 : i32
      %dma_start3A_24 = tpu.memref_slice %arg7[%scan3A_23, %dma_start3A] : memref<80x125xi32, #tpu.memory_space<vmem>> -> memref<1x125xi32, #tpu.memory_space<vmem>>
      %dma_start3A_25 = tpu.memref_squeeze %dma_start3A_24 : memref<1x125xi32, #tpu.memory_space<vmem>> -> memref<125xi32, #tpu.memory_space<vmem>>
      %dma_start3A_26 = arith.constant 0 : i32
      %dma_start3A_27 = arith.constant 0 : i32
      %dma_start3A_28 = tpu.memref_slice %arg2[%dma_start3A_26, %dma_start3A_27] : memref<10000x128xf32, #tpu.memory_space<hbm>> -> memref<10000x128xf32, #tpu.memory_space<hbm>>
      tpu.enqueue_indirect_dma source(%dma_start3A_28 : memref<10000x128xf32, #tpu.memory_space<hbm>>) target(%arg9 : memref<125x128xf32, #tpu.memory_space<vmem>>) offsets(%dma_start3A_25 : memref<125xi32, #tpu.memory_space<vmem>>) semaphore(%arg11 : memref<!tpu.dma_semaphore, #tpu.memory_space<semaphore_mem>>)
      %dma_wait3A = arith.constant 0 : i32
      %dma_wait3A_29 = tpu.memref_slice %arg7[%scan3A_23, %dma_wait3A] : memref<80x125xi32, #tpu.memory_space<vmem>> -> memref<1x125xi32, #tpu.memory_space<vmem>>
      %dma_wait3A_30 = tpu.memref_squeeze %dma_wait3A_29 : memref<1x125xi32, #tpu.memory_space<vmem>> -> memref<125xi32, #tpu.memory_space<vmem>>
      %dma_wait3A_31 = arith.constant 0 : i32
      %dma_wait3A_32 = arith.constant 0 : i32
      %dma_wait3A_33 = tpu.memref_slice %arg2[%dma_wait3A_31, %dma_wait3A_32] : memref<10000x128xf32, #tpu.memory_space<hbm>> -> memref<10000x128xf32, #tpu.memory_space<hbm>>
      tpu.wait_indirect_dma semaphore(%arg11 : memref<!tpu.dma_semaphore, #tpu.memory_space<semaphore_mem>>) src(%dma_wait3A_33 : memref<10000x128xf32, #tpu.memory_space<hbm>>) dst(%arg9 : memref<125x128xf32, #tpu.memory_space<vmem>>)
      "tpu.region"() ({
        %run_scoped3A = tpu.sem_alloc : memref<!tpu.dma_semaphore, #tpu.memory_space<semaphore_mem>>
        %dma_start3A_34 = arith.constant 0 : i32
        %dma_start3A_35 = tpu.memref_slice %arg8[%scan3A_23, %dma_start3A_34] : memref<80x125xi32, #tpu.memory_space<vmem>> -> memref<1x125xi32, #tpu.memory_space<vmem>>
        %dma_start3A_36 = tpu.memref_squeeze %dma_start3A_35 : memref<1x125xi32, #tpu.memory_space<vmem>> -> memref<125xi32, #tpu.memory_space<vmem>>
        %dma_start3A_37 = arith.constant 0 : i32
        %dma_start3A_38 = arith.constant 0 : i32
        %dma_start3A_39 = tpu.memref_slice %arg10[%dma_start3A_37, %dma_start3A_38] : memref<10000x128xf32, #tpu.memory_space<vmem_shared>> -> memref<10000x128xf32, #tpu.memory_space<vmem_shared>>
        tpu.enqueue_indirect_dma source(%arg9 : memref<125x128xf32, #tpu.memory_space<vmem>>) target(%dma_start3A_39 : memref<10000x128xf32, #tpu.memory_space<vmem_shared>>) offsets(%dma_start3A_36 : memref<125xi32, #tpu.memory_space<vmem>>) semaphore(%run_scoped3A : memref<!tpu.dma_semaphore, #tpu.memory_space<semaphore_mem>>) {add = true}
        %dma_wait3A_40 = arith.constant 0 : i32
        %dma_wait3A_41 = tpu.memref_slice %arg8[%scan3A_23, %dma_wait3A_40] : memref<80x125xi32, #tpu.memory_space<vmem>> -> memref<1x125xi32, #tpu.memory_space<vmem>>
        %dma_wait3A_42 = tpu.memref_squeeze %dma_wait3A_41 : memref<1x125xi32, #tpu.memory_space<vmem>> -> memref<125xi32, #tpu.memory_space<vmem>>
        %dma_wait3A_43 = arith.constant 0 : i32
        %dma_wait3A_44 = arith.constant 0 : i32
        %dma_wait3A_45 = tpu.memref_slice %arg10[%dma_wait3A_43, %dma_wait3A_44] : memref<10000x128xf32, #tpu.memory_space<vmem_shared>> -> memref<10000x128xf32, #tpu.memory_space<vmem_shared>>
        tpu.wait_indirect_dma semaphore(%run_scoped3A : memref<!tpu.dma_semaphore, #tpu.memory_space<semaphore_mem>>) src(%arg9 : memref<125x128xf32, #tpu.memory_space<vmem>>) dst(%dma_wait3A_45 : memref<10000x128xf32, #tpu.memory_space<vmem_shared>>)
        tpu.yield
      }) : () -> ()
    }
    %scan3A_11 = arith.constant 80 : i32
    %barrier3A_12 = arith.constant 0 : index
    tpu.barrier barrier_id(%barrier3A_12)
    %lt3A_13 = arith.constant 15 : i32
    %lt3A_14 = arith.cmpi slt, %arg1, %lt3A_13 : i32
    %convert_element_type3A_15 = arith.extui %lt3A_14 : i1 to i32
    %cond3A_16 = arith.constant 0 : i32
    %cond3A_17 = arith.cmpi ne, %convert_element_type3A_15, %cond3A_16 : i32
    scf.if %cond3A_17 {
      %mul3A_23 = arith.constant 624 : i32
      %mul3A_24 = arith.muli %arg1, %mul3A_23 : i32
      %mul3A_25 = arith.constant 624 : i32
      %mul3A_26 = arith.muli %arg1, %mul3A_25 : i32
      "tpu.region"() ({
        %run_scoped3A = tpu.sem_alloc : memref<!tpu.dma_semaphore, #tpu.memory_space<semaphore_mem>>
        %dma_start3A = arith.constant 0 : i32
        %dma_start3A_27 = tpu.memref_slice %arg6[%arg0, %mul3A_26, %dma_start3A] : memref<2x10000x128xf32, #tpu.memory_space<hbm>> -> memref<1x624x128xf32, #tpu.memory_space<hbm>>
        %dma_start3A_28 = tpu.memref_squeeze %dma_start3A_27 : memref<1x624x128xf32, #tpu.memory_space<hbm>> -> memref<624x128xf32, #tpu.memory_space<hbm>>
        %dma_start3A_29 = arith.constant 0 : i32
        %dma_start3A_30 = tpu.memref_slice %arg10[%mul3A_24, %dma_start3A_29] : memref<10000x128xf32, #tpu.memory_space<vmem_shared>> -> memref<624x128xf32, #tpu.memory_space<vmem_shared>>
        tpu.enqueue_dma source(%dma_start3A_30 : memref<624x128xf32, #tpu.memory_space<vmem_shared>>) target(%dma_start3A_28 : memref<624x128xf32, #tpu.memory_space<hbm>>) target_semaphore(%run_scoped3A : memref<!tpu.dma_semaphore, #tpu.memory_space<semaphore_mem>>)
        %dma_wait3A = arith.constant 0 : i32
        %dma_wait3A_31 = tpu.memref_slice %arg6[%arg0, %mul3A_26, %dma_wait3A] : memref<2x10000x128xf32, #tpu.memory_space<hbm>> -> memref<1x624x128xf32, #tpu.memory_space<hbm>>
        %dma_wait3A_32 = tpu.memref_squeeze %dma_wait3A_31 : memref<1x624x128xf32, #tpu.memory_space<hbm>> -> memref<624x128xf32, #tpu.memory_space<hbm>>
        %dma_wait3A_33 = arith.constant 0 : i32
        %dma_wait3A_34 = tpu.memref_slice %arg10[%mul3A_24, %dma_wait3A_33] : memref<10000x128xf32, #tpu.memory_space<vmem_shared>> -> memref<624x128xf32, #tpu.memory_space<vmem_shared>>
        tpu.wait_dma2 semaphore(%run_scoped3A : memref<!tpu.dma_semaphore, #tpu.memory_space<semaphore_mem>>) src(%dma_wait3A_34 : memref<624x128xf32, #tpu.memory_space<vmem_shared>>) dst(%dma_wait3A_32 : memref<624x128xf32, #tpu.memory_space<hbm>>)
        tpu.yield
      }) : () -> ()
    } else {
    }
    %eq3A_18 = arith.constant 15 : i32
    %eq3A_19 = arith.cmpi eq, %arg1, %eq3A_18 : i32
    %convert_element_type3A_20 = arith.extui %eq3A_19 : i1 to i32
    %cond3A_21 = arith.constant 0 : i32
    %cond3A_22 = arith.cmpi ne, %convert_element_type3A_20, %cond3A_21 : i32
    scf.if %cond3A_22 {
      "tpu.region"() ({
        %run_scoped3A = tpu.sem_alloc : memref<!tpu.dma_semaphore, #tpu.memory_space<semaphore_mem>>
        %dma_start3A = arith.constant 9360 : i32
        %dma_start3A_23 = arith.constant 0 : i32
        %dma_start3A_24 = tpu.memref_slice %arg6[%arg0, %dma_start3A, %dma_start3A_23] : memref<2x10000x128xf32, #tpu.memory_space<hbm>> -> memref<1x640x128xf32, #tpu.memory_space<hbm>>
        %dma_start3A_25 = tpu.memref_squeeze %dma_start3A_24 : memref<1x640x128xf32, #tpu.memory_space<hbm>> -> memref<640x128xf32, #tpu.memory_space<hbm>>
        %dma_start3A_26 = arith.constant 9360 : i32
        %dma_start3A_27 = arith.constant 0 : i32
        %dma_start3A_28 = tpu.memref_slice %arg10[%dma_start3A_26, %dma_start3A_27] : memref<10000x128xf32, #tpu.memory_space<vmem_shared>> -> memref<640x128xf32, #tpu.memory_space<vmem_shared>>
        tpu.enqueue_dma source(%dma_start3A_28 : memref<640x128xf32, #tpu.memory_space<vmem_shared>>) target(%dma_start3A_25 : memref<640x128xf32, #tpu.memory_space<hbm>>) target_semaphore(%run_scoped3A : memref<!tpu.dma_semaphore, #tpu.memory_space<semaphore_mem>>)
        %dma_wait3A = arith.constant 9360 : i32
        %dma_wait3A_29 = arith.constant 0 : i32
        %dma_wait3A_30 = tpu.memref_slice %arg6[%arg0, %dma_wait3A, %dma_wait3A_29] : memref<2x10000x128xf32, #tpu.memory_space<hbm>> -> memref<1x640x128xf32, #tpu.memory_space<hbm>>
        %dma_wait3A_31 = tpu.memref_squeeze %dma_wait3A_30 : memref<1x640x128xf32, #tpu.memory_space<hbm>> -> memref<640x128xf32, #tpu.memory_space<hbm>>
        %dma_wait3A_32 = arith.constant 9360 : i32
        %dma_wait3A_33 = arith.constant 0 : i32
        %dma_wait3A_34 = tpu.memref_slice %arg10[%dma_wait3A_32, %dma_wait3A_33] : memref<10000x128xf32, #tpu.memory_space<vmem_shared>> -> memref<640x128xf32, #tpu.memory_space<vmem_shared>>
        tpu.wait_dma2 semaphore(%run_scoped3A : memref<!tpu.dma_semaphore, #tpu.memory_space<semaphore_mem>>) src(%dma_wait3A_34 : memref<640x128xf32, #tpu.memory_space<vmem_shared>>) dst(%dma_wait3A_31 : memref<640x128xf32, #tpu.memory_space<hbm>>)
        tpu.yield
      }) : () -> ()
    } else {
    }
    return
  }
}

#map = affine_map<(d0, d1) -> (0, 0)>
#map1 = affine_map<(d0, d1) -> (0, 0, 0)>
module attributes {stable_mosaic.version = 14 : i64} {
  func.func @agg(%arg0: i32, %arg1: i32, %arg2: memref<10000x128xf32, #tpu.memory_space<hbm>>, %arg3: memref<32x80x125xi32, #tpu.memory_space<hbm>>, %arg4: memref<32x80x125xi32, #tpu.memory_space<hbm>>, %arg5: memref<10000x128xf32, #tpu.memory_space<hbm>>, %arg6: memref<2x10000x128xf32, #tpu.memory_space<hbm>>, %arg7: memref<80x125xi32, #tpu.memory_space<vmem>>, %arg8: memref<80x125xi32, #tpu.memory_space<vmem>>, %arg9: memref<125x128xf32, #tpu.memory_space<vmem>>, %arg10: memref<10000x128xf32, #tpu.memory_space<vmem_shared>>, %arg11: memref<!tpu.dma_semaphore, #tpu.memory_space<semaphore_mem>>) attributes {dimension_semantics = [#tpu.dimension_semantics<core_parallel>, #tpu.dimension_semantics<subcore_parallel>], iteration_bounds = array<i64: 2, 16>, scalar_prefetch = 0 : i64, scratch_operands = 5 : i64, tpu.core_type = #tpu.core_type<sc_vector_subcore>, window_params = [{transform_indices = #map}, {transform_indices = #map1}, {transform_indices = #map1}, {transform_indices = #map}, {transform_indices = #map1}]} {
    %mul3A = arith.constant 2 : i32
    %mul3A_0 = arith.muli %arg1, %mul3A : i32
    %add3A = arith.addi %mul3A_0, %arg0 : i32
    %lt3A = arith.constant 15 : i32
    %lt3A_1 = arith.cmpi slt, %arg1, %lt3A : i32
    %convert_element_type3A = arith.extui %lt3A_1 : i1 to i32
    %cond3A = arith.constant 0 : i32
    %cond3A_2 = arith.cmpi ne, %convert_element_type3A, %cond3A : i32
    scf.if %cond3A_2 {
      %mul3A_23 = arith.constant 624 : i32
      %mul3A_24 = arith.muli %arg1, %mul3A_23 : i32
      %mul3A_25 = arith.constant 624 : i32
      %mul3A_26 = arith.muli %arg1, %mul3A_25 : i32
      "tpu.region"() ({
        %run_scoped3A = tpu.sem_alloc : memref<!tpu.dma_semaphore, #tpu.memory_space<semaphore_mem>>
        %dma_start3A = arith.constant 0 : i32
        %dma_start3A_27 = tpu.memref_slice %arg10[%mul3A_26, %dma_start3A] : memref<10000x128xf32, #tpu.memory_space<vmem_shared>> -> memref<624x128xf32, #tpu.memory_space<vmem_shared>>
        %dma_start3A_28 = arith.constant 0 : i32
        %dma_start3A_29 = tpu.memref_slice %arg5[%mul3A_24, %dma_start3A_28] : memref<10000x128xf32, #tpu.memory_space<hbm>> -> memref<624x128xf32, #tpu.memory_space<hbm>>
        tpu.enqueue_dma source(%dma_start3A_29 : memref<624x128xf32, #tpu.memory_space<hbm>>) target(%dma_start3A_27 : memref<624x128xf32, #tpu.memory_space<vmem_shared>>) target_semaphore(%run_scoped3A : memref<!tpu.dma_semaphore, #tpu.memory_space<semaphore_mem>>)
        %dma_wait3A = arith.constant 0 : i32
        %dma_wait3A_30 = tpu.memref_slice %arg10[%mul3A_26, %dma_wait3A] : memref<10000x128xf32, #tpu.memory_space<vmem_shared>> -> memref<624x128xf32, #tpu.memory_space<vmem_shared>>
        %dma_wait3A_31 = arith.constant 0 : i32
        %dma_wait3A_32 = tpu.memref_slice %arg5[%mul3A_24, %dma_wait3A_31] : memref<10000x128xf32, #tpu.memory_space<hbm>> -> memref<624x128xf32, #tpu.memory_space<hbm>>
        tpu.wait_dma2 semaphore(%run_scoped3A : memref<!tpu.dma_semaphore, #tpu.memory_space<semaphore_mem>>) src(%dma_wait3A_32 : memref<624x128xf32, #tpu.memory_space<hbm>>) dst(%dma_wait3A_30 : memref<624x128xf32, #tpu.memory_space<vmem_shared>>)
        tpu.yield
      }) : () -> ()
    } else {
    }
    %eq3A = arith.constant 15 : i32
    %eq3A_3 = arith.cmpi eq, %arg1, %eq3A : i32
    %convert_element_type3A_4 = arith.extui %eq3A_3 : i1 to i32
    %cond3A_5 = arith.constant 0 : i32
    %cond3A_6 = arith.cmpi ne, %convert_element_type3A_4, %cond3A_5 : i32
    scf.if %cond3A_6 {
      "tpu.region"() ({
        %run_scoped3A = tpu.sem_alloc : memref<!tpu.dma_semaphore, #tpu.memory_space<semaphore_mem>>
        %dma_start3A = arith.constant 9360 : i32
        %dma_start3A_23 = arith.constant 0 : i32
        %dma_start3A_24 = tpu.memref_slice %arg10[%dma_start3A, %dma_start3A_23] : memref<10000x128xf32, #tpu.memory_space<vmem_shared>> -> memref<640x128xf32, #tpu.memory_space<vmem_shared>>
        %dma_start3A_25 = arith.constant 9360 : i32
        %dma_start3A_26 = arith.constant 0 : i32
        %dma_start3A_27 = tpu.memref_slice %arg5[%dma_start3A_25, %dma_start3A_26] : memref<10000x128xf32, #tpu.memory_space<hbm>> -> memref<640x128xf32, #tpu.memory_space<hbm>>
        tpu.enqueue_dma source(%dma_start3A_27 : memref<640x128xf32, #tpu.memory_space<hbm>>) target(%dma_start3A_24 : memref<640x128xf32, #tpu.memory_space<vmem_shared>>) target_semaphore(%run_scoped3A : memref<!tpu.dma_semaphore, #tpu.memory_space<semaphore_mem>>)
        %dma_wait3A = arith.constant 9360 : i32
        %dma_wait3A_28 = arith.constant 0 : i32
        %dma_wait3A_29 = tpu.memref_slice %arg10[%dma_wait3A, %dma_wait3A_28] : memref<10000x128xf32, #tpu.memory_space<vmem_shared>> -> memref<640x128xf32, #tpu.memory_space<vmem_shared>>
        %dma_wait3A_30 = arith.constant 9360 : i32
        %dma_wait3A_31 = arith.constant 0 : i32
        %dma_wait3A_32 = tpu.memref_slice %arg5[%dma_wait3A_30, %dma_wait3A_31] : memref<10000x128xf32, #tpu.memory_space<hbm>> -> memref<640x128xf32, #tpu.memory_space<hbm>>
        tpu.wait_dma2 semaphore(%run_scoped3A : memref<!tpu.dma_semaphore, #tpu.memory_space<semaphore_mem>>) src(%dma_wait3A_32 : memref<640x128xf32, #tpu.memory_space<hbm>>) dst(%dma_wait3A_29 : memref<640x128xf32, #tpu.memory_space<vmem_shared>>)
        tpu.yield
      }) : () -> ()
    } else {
    }
    "tpu.region"() ({
      %run_scoped3A = tpu.sem_alloc : memref<!tpu.dma_semaphore, #tpu.memory_space<semaphore_mem>>
      %dma_start3A = arith.constant 0 : i32
      %dma_start3A_23 = arith.constant 0 : i32
      %dma_start3A_24 = tpu.memref_slice %arg3[%add3A, %dma_start3A, %dma_start3A_23] : memref<32x80x125xi32, #tpu.memory_space<hbm>> -> memref<1x80x125xi32, #tpu.memory_space<hbm>>
      %dma_start3A_25 = tpu.memref_squeeze %dma_start3A_24 : memref<1x80x125xi32, #tpu.memory_space<hbm>> -> memref<80x125xi32, #tpu.memory_space<hbm>>
      %dma_start3A_26 = arith.constant 0 : i32
      %dma_start3A_27 = arith.constant 0 : i32
      %dma_start3A_28 = tpu.memref_slice %arg3[%add3A, %dma_start3A_26, %dma_start3A_27] : memref<32x80x125xi32, #tpu.memory_space<hbm>> -> memref<1x80x125xi32, #tpu.memory_space<hbm>>
      %dma_start3A_29 = tpu.memref_squeeze %dma_start3A_28 : memref<1x80x125xi32, #tpu.memory_space<hbm>> -> memref<80x125xi32, #tpu.memory_space<hbm>>
      tpu.enqueue_dma source(%dma_start3A_29 : memref<80x125xi32, #tpu.memory_space<hbm>>) target(%arg7 : memref<80x125xi32, #tpu.memory_space<vmem>>) target_semaphore(%run_scoped3A : memref<!tpu.dma_semaphore, #tpu.memory_space<semaphore_mem>>)
      %dma_wait3A = arith.constant 0 : i32
      %dma_wait3A_30 = arith.constant 0 : i32
      %dma_wait3A_31 = tpu.memref_slice %arg3[%add3A, %dma_wait3A, %dma_wait3A_30] : memref<32x80x125xi32, #tpu.memory_space<hbm>> -> memref<1x80x125xi32, #tpu.memory_space<hbm>>
      %dma_wait3A_32 = tpu.memref_squeeze %dma_wait3A_31 : memref<1x80x125xi32, #tpu.memory_space<hbm>> -> memref<80x125xi32, #tpu.memory_space<hbm>>
      %dma_wait3A_33 = arith.constant 0 : i32
      %dma_wait3A_34 = arith.constant 0 : i32
      %dma_wait3A_35 = tpu.memref_slice %arg3[%add3A, %dma_wait3A_33, %dma_wait3A_34] : memref<32x80x125xi32, #tpu.memory_space<hbm>> -> memref<1x80x125xi32, #tpu.memory_space<hbm>>
      %dma_wait3A_36 = tpu.memref_squeeze %dma_wait3A_35 : memref<1x80x125xi32, #tpu.memory_space<hbm>> -> memref<80x125xi32, #tpu.memory_space<hbm>>
      tpu.wait_dma2 semaphore(%run_scoped3A : memref<!tpu.dma_semaphore, #tpu.memory_space<semaphore_mem>>) src(%dma_wait3A_36 : memref<80x125xi32, #tpu.memory_space<hbm>>) dst(%arg7 : memref<80x125xi32, #tpu.memory_space<vmem>>)
      tpu.yield
    }) : () -> ()
    "tpu.region"() ({
      %run_scoped3A = tpu.sem_alloc : memref<!tpu.dma_semaphore, #tpu.memory_space<semaphore_mem>>
      %dma_start3A = arith.constant 0 : i32
      %dma_start3A_23 = arith.constant 0 : i32
      %dma_start3A_24 = tpu.memref_slice %arg4[%add3A, %dma_start3A, %dma_start3A_23] : memref<32x80x125xi32, #tpu.memory_space<hbm>> -> memref<1x80x125xi32, #tpu.memory_space<hbm>>
      %dma_start3A_25 = tpu.memref_squeeze %dma_start3A_24 : memref<1x80x125xi32, #tpu.memory_space<hbm>> -> memref<80x125xi32, #tpu.memory_space<hbm>>
      %dma_start3A_26 = arith.constant 0 : i32
      %dma_start3A_27 = arith.constant 0 : i32
      %dma_start3A_28 = tpu.memref_slice %arg4[%add3A, %dma_start3A_26, %dma_start3A_27] : memref<32x80x125xi32, #tpu.memory_space<hbm>> -> memref<1x80x125xi32, #tpu.memory_space<hbm>>
      %dma_start3A_29 = tpu.memref_squeeze %dma_start3A_28 : memref<1x80x125xi32, #tpu.memory_space<hbm>> -> memref<80x125xi32, #tpu.memory_space<hbm>>
      tpu.enqueue_dma source(%dma_start3A_29 : memref<80x125xi32, #tpu.memory_space<hbm>>) target(%arg8 : memref<80x125xi32, #tpu.memory_space<vmem>>) target_semaphore(%run_scoped3A : memref<!tpu.dma_semaphore, #tpu.memory_space<semaphore_mem>>)
      %dma_wait3A = arith.constant 0 : i32
      %dma_wait3A_30 = arith.constant 0 : i32
      %dma_wait3A_31 = tpu.memref_slice %arg4[%add3A, %dma_wait3A, %dma_wait3A_30] : memref<32x80x125xi32, #tpu.memory_space<hbm>> -> memref<1x80x125xi32, #tpu.memory_space<hbm>>
      %dma_wait3A_32 = tpu.memref_squeeze %dma_wait3A_31 : memref<1x80x125xi32, #tpu.memory_space<hbm>> -> memref<80x125xi32, #tpu.memory_space<hbm>>
      %dma_wait3A_33 = arith.constant 0 : i32
      %dma_wait3A_34 = arith.constant 0 : i32
      %dma_wait3A_35 = tpu.memref_slice %arg4[%add3A, %dma_wait3A_33, %dma_wait3A_34] : memref<32x80x125xi32, #tpu.memory_space<hbm>> -> memref<1x80x125xi32, #tpu.memory_space<hbm>>
      %dma_wait3A_36 = tpu.memref_squeeze %dma_wait3A_35 : memref<1x80x125xi32, #tpu.memory_space<hbm>> -> memref<80x125xi32, #tpu.memory_space<hbm>>
      tpu.wait_dma2 semaphore(%run_scoped3A : memref<!tpu.dma_semaphore, #tpu.memory_space<semaphore_mem>>) src(%dma_wait3A_36 : memref<80x125xi32, #tpu.memory_space<hbm>>) dst(%arg8 : memref<80x125xi32, #tpu.memory_space<vmem>>)
      tpu.yield
    }) : () -> ()
    %barrier3A = arith.constant 0 : index
    tpu.barrier barrier_id(%barrier3A)
    %scan3A = arith.constant 0 : i32
    %scan3A_7 = arith.constant 0 : i32
    %scan3A_8 = arith.constant 80 : i32
    %scan3A_9 = arith.addi %scan3A_7, %scan3A_8 : i32
    %scan3A_10 = arith.constant 1 : i32
    scf.for %scan3A_23 = %scan3A_7 to %scan3A_9 step %scan3A_10  : i32 {
      %dma_start3A = arith.constant 0 : i32
      %dma_start3A_24 = tpu.memref_slice %arg7[%scan3A_23, %dma_start3A] : memref<80x125xi32, #tpu.memory_space<vmem>> -> memref<1x125xi32, #tpu.memory_space<vmem>>
      %dma_start3A_25 = tpu.memref_squeeze %dma_start3A_24 : memref<1x125xi32, #tpu.memory_space<vmem>> -> memref<125xi32, #tpu.memory_space<vmem>>
      %dma_start3A_26 = arith.constant 0 : i32
      %dma_start3A_27 = arith.constant 0 : i32
      %dma_start3A_28 = tpu.memref_slice %arg2[%dma_start3A_26, %dma_start3A_27] : memref<10000x128xf32, #tpu.memory_space<hbm>> -> memref<10000x128xf32, #tpu.memory_space<hbm>>
      tpu.enqueue_indirect_dma source(%dma_start3A_28 : memref<10000x128xf32, #tpu.memory_space<hbm>>) target(%arg9 : memref<125x128xf32, #tpu.memory_space<vmem>>) offsets(%dma_start3A_25 : memref<125xi32, #tpu.memory_space<vmem>>) semaphore(%arg11 : memref<!tpu.dma_semaphore, #tpu.memory_space<semaphore_mem>>)
      %dma_wait3A = arith.constant 0 : i32
      %dma_wait3A_29 = tpu.memref_slice %arg7[%scan3A_23, %dma_wait3A] : memref<80x125xi32, #tpu.memory_space<vmem>> -> memref<1x125xi32, #tpu.memory_space<vmem>>
      %dma_wait3A_30 = tpu.memref_squeeze %dma_wait3A_29 : memref<1x125xi32, #tpu.memory_space<vmem>> -> memref<125xi32, #tpu.memory_space<vmem>>
      %dma_wait3A_31 = arith.constant 0 : i32
      %dma_wait3A_32 = arith.constant 0 : i32
      %dma_wait3A_33 = tpu.memref_slice %arg2[%dma_wait3A_31, %dma_wait3A_32] : memref<10000x128xf32, #tpu.memory_space<hbm>> -> memref<10000x128xf32, #tpu.memory_space<hbm>>
      tpu.wait_indirect_dma semaphore(%arg11 : memref<!tpu.dma_semaphore, #tpu.memory_space<semaphore_mem>>) src(%dma_wait3A_33 : memref<10000x128xf32, #tpu.memory_space<hbm>>) dst(%arg9 : memref<125x128xf32, #tpu.memory_space<vmem>>)
      "tpu.region"() ({
        %run_scoped3A = tpu.sem_alloc : memref<!tpu.dma_semaphore, #tpu.memory_space<semaphore_mem>>
        %dma_start3A_34 = arith.constant 0 : i32
        %dma_start3A_35 = tpu.memref_slice %arg8[%scan3A_23, %dma_start3A_34] : memref<80x125xi32, #tpu.memory_space<vmem>> -> memref<1x125xi32, #tpu.memory_space<vmem>>
        %dma_start3A_36 = tpu.memref_squeeze %dma_start3A_35 : memref<1x125xi32, #tpu.memory_space<vmem>> -> memref<125xi32, #tpu.memory_space<vmem>>
        %dma_start3A_37 = arith.constant 0 : i32
        %dma_start3A_38 = arith.constant 0 : i32
        %dma_start3A_39 = tpu.memref_slice %arg10[%dma_start3A_37, %dma_start3A_38] : memref<10000x128xf32, #tpu.memory_space<vmem_shared>> -> memref<10000x128xf32, #tpu.memory_space<vmem_shared>>
        tpu.enqueue_indirect_dma source(%arg9 : memref<125x128xf32, #tpu.memory_space<vmem>>) target(%dma_start3A_39 : memref<10000x128xf32, #tpu.memory_space<vmem_shared>>) offsets(%dma_start3A_36 : memref<125xi32, #tpu.memory_space<vmem>>) semaphore(%run_scoped3A : memref<!tpu.dma_semaphore, #tpu.memory_space<semaphore_mem>>) {add = true}
        %dma_wait3A_40 = arith.constant 0 : i32
        %dma_wait3A_41 = tpu.memref_slice %arg8[%scan3A_23, %dma_wait3A_40] : memref<80x125xi32, #tpu.memory_space<vmem>> -> memref<1x125xi32, #tpu.memory_space<vmem>>
        %dma_wait3A_42 = tpu.memref_squeeze %dma_wait3A_41 : memref<1x125xi32, #tpu.memory_space<vmem>> -> memref<125xi32, #tpu.memory_space<vmem>>
        %dma_wait3A_43 = arith.constant 0 : i32
        %dma_wait3A_44 = arith.constant 0 : i32
        %dma_wait3A_45 = tpu.memref_slice %arg10[%dma_wait3A_43, %dma_wait3A_44] : memref<10000x128xf32, #tpu.memory_space<vmem_shared>> -> memref<10000x128xf32, #tpu.memory_space<vmem_shared>>
        tpu.wait_indirect_dma semaphore(%run_scoped3A : memref<!tpu.dma_semaphore, #tpu.memory_space<semaphore_mem>>) src(%arg9 : memref<125x128xf32, #tpu.memory_space<vmem>>) dst(%dma_wait3A_45 : memref<10000x128xf32, #tpu.memory_space<vmem_shared>>)
        tpu.yield
      }) : () -> ()
    }
    %scan3A_11 = arith.constant 80 : i32
    %barrier3A_12 = arith.constant 0 : index
    tpu.barrier barrier_id(%barrier3A_12)
    %lt3A_13 = arith.constant 15 : i32
    %lt3A_14 = arith.cmpi slt, %arg1, %lt3A_13 : i32
    %convert_element_type3A_15 = arith.extui %lt3A_14 : i1 to i32
    %cond3A_16 = arith.constant 0 : i32
    %cond3A_17 = arith.cmpi ne, %convert_element_type3A_15, %cond3A_16 : i32
    scf.if %cond3A_17 {
      %mul3A_23 = arith.constant 624 : i32
      %mul3A_24 = arith.muli %arg1, %mul3A_23 : i32
      %mul3A_25 = arith.constant 624 : i32
      %mul3A_26 = arith.muli %arg1, %mul3A_25 : i32
      "tpu.region"() ({
        %run_scoped3A = tpu.sem_alloc : memref<!tpu.dma_semaphore, #tpu.memory_space<semaphore_mem>>
        %dma_start3A = arith.constant 0 : i32
        %dma_start3A_27 = tpu.memref_slice %arg6[%arg0, %mul3A_26, %dma_start3A] : memref<2x10000x128xf32, #tpu.memory_space<hbm>> -> memref<1x624x128xf32, #tpu.memory_space<hbm>>
        %dma_start3A_28 = tpu.memref_squeeze %dma_start3A_27 : memref<1x624x128xf32, #tpu.memory_space<hbm>> -> memref<624x128xf32, #tpu.memory_space<hbm>>
        %dma_start3A_29 = arith.constant 0 : i32
        %dma_start3A_30 = tpu.memref_slice %arg10[%mul3A_24, %dma_start3A_29] : memref<10000x128xf32, #tpu.memory_space<vmem_shared>> -> memref<624x128xf32, #tpu.memory_space<vmem_shared>>
        tpu.enqueue_dma source(%dma_start3A_30 : memref<624x128xf32, #tpu.memory_space<vmem_shared>>) target(%dma_start3A_28 : memref<624x128xf32, #tpu.memory_space<hbm>>) target_semaphore(%run_scoped3A : memref<!tpu.dma_semaphore, #tpu.memory_space<semaphore_mem>>)
        %dma_wait3A = arith.constant 0 : i32
        %dma_wait3A_31 = tpu.memref_slice %arg6[%arg0, %mul3A_26, %dma_wait3A] : memref<2x10000x128xf32, #tpu.memory_space<hbm>> -> memref<1x624x128xf32, #tpu.memory_space<hbm>>
        %dma_wait3A_32 = tpu.memref_squeeze %dma_wait3A_31 : memref<1x624x128xf32, #tpu.memory_space<hbm>> -> memref<624x128xf32, #tpu.memory_space<hbm>>
        %dma_wait3A_33 = arith.constant 0 : i32
        %dma_wait3A_34 = tpu.memref_slice %arg10[%mul3A_24, %dma_wait3A_33] : memref<10000x128xf32, #tpu.memory_space<vmem_shared>> -> memref<624x128xf32, #tpu.memory_space<vmem_shared>>
        tpu.wait_dma2 semaphore(%run_scoped3A : memref<!tpu.dma_semaphore, #tpu.memory_space<semaphore_mem>>) src(%dma_wait3A_34 : memref<624x128xf32, #tpu.memory_space<vmem_shared>>) dst(%dma_wait3A_32 : memref<624x128xf32, #tpu.memory_space<hbm>>)
        tpu.yield
      }) : () -> ()
    } else {
    }
    %eq3A_18 = arith.constant 15 : i32
    %eq3A_19 = arith.cmpi eq, %arg1, %eq3A_18 : i32
    %convert_element_type3A_20 = arith.extui %eq3A_19 : i1 to i32
    %cond3A_21 = arith.constant 0 : i32
    %cond3A_22 = arith.cmpi ne, %convert_element_type3A_20, %cond3A_21 : i32
    scf.if %cond3A_22 {
      "tpu.region"() ({
        %run_scoped3A = tpu.sem_alloc : memref<!tpu.dma_semaphore, #tpu.memory_space<semaphore_mem>>
        %dma_start3A = arith.constant 9360 : i32
        %dma_start3A_23 = arith.constant 0 : i32
        %dma_start3A_24 = tpu.memref_slice %arg6[%arg0, %dma_start3A, %dma_start3A_23] : memref<2x10000x128xf32, #tpu.memory_space<hbm>> -> memref<1x640x128xf32, #tpu.memory_space<hbm>>
        %dma_start3A_25 = tpu.memref_squeeze %dma_start3A_24 : memref<1x640x128xf32, #tpu.memory_space<hbm>> -> memref<640x128xf32, #tpu.memory_space<hbm>>
        %dma_start3A_26 = arith.constant 9360 : i32
        %dma_start3A_27 = arith.constant 0 : i32
        %dma_start3A_28 = tpu.memref_slice %arg10[%dma_start3A_26, %dma_start3A_27] : memref<10000x128xf32, #tpu.memory_space<vmem_shared>> -> memref<640x128xf32, #tpu.memory_space<vmem_shared>>
        tpu.enqueue_dma source(%dma_start3A_28 : memref<640x128xf32, #tpu.memory_space<vmem_shared>>) target(%dma_start3A_25 : memref<640x128xf32, #tpu.memory_space<hbm>>) target_semaphore(%run_scoped3A : memref<!tpu.dma_semaphore, #tpu.memory_space<semaphore_mem>>)
        %dma_wait3A = arith.constant 9360 : i32
        %dma_wait3A_29 = arith.constant 0 : i32
        %dma_wait3A_30 = tpu.memref_slice %arg6[%arg0, %dma_wait3A, %dma_wait3A_29] : memref<2x10000x128xf32, #tpu.memory_space<hbm>> -> memref<1x640x128xf32, #tpu.memory_space<hbm>>
        %dma_wait3A_31 = tpu.memref_squeeze %dma_wait3A_30 : memref<1x640x128xf32, #tpu.memory_space<hbm>> -> memref<640x128xf32, #tpu.memory_space<hbm>>
        %dma_wait3A_32 = arith.constant 9360 : i32
        %dma_wait3A_33 = arith.constant 0 : i32
        %dma_wait3A_34 = tpu.memref_slice %arg10[%dma_wait3A_32, %dma_wait3A_33] : memref<10000x128xf32, #tpu.memory_space<vmem_shared>> -> memref<640x128xf32, #tpu.memory_space<vmem_shared>>
        tpu.wait_dma2 semaphore(%run_scoped3A : memref<!tpu.dma_semaphore, #tpu.memory_space<semaphore_mem>>) src(%dma_wait3A_34 : memref<640x128xf32, #tpu.memory_space<vmem_shared>>) dst(%dma_wait3A_31 : memref<640x128xf32, #tpu.memory_space<hbm>>)
        tpu.yield
      }) : () -> ()
    } else {
    }
    return
  }
}

#map = affine_map<(d0, d1) -> (0, 0, 0)>
#map1 = affine_map<(d0, d1) -> (0, 0)>
module attributes {stable_mosaic.version = 14 : i64} {
  func.func @_deg_kernel(%arg0: i32, %arg1: i32, %arg2: memref<32x80x125xi32, #tpu.memory_space<hbm>>, %arg3: memref<125x16xf32, #tpu.memory_space<hbm>>, %arg4: memref<10000x16xf32, #tpu.memory_space<hbm>>, %arg5: memref<2x10000x16xf32, #tpu.memory_space<hbm>>, %arg6: memref<80x125xi32, #tpu.memory_space<vmem>>, %arg7: memref<125x16xf32, #tpu.memory_space<vmem>>, %arg8: memref<10000x16xf32, #tpu.memory_space<vmem_shared>>) attributes {dimension_semantics = [#tpu.dimension_semantics<core_parallel>, #tpu.dimension_semantics<subcore_parallel>], iteration_bounds = array<i64: 2, 16>, scalar_prefetch = 0 : i64, scratch_operands = 3 : i64, tpu.core_type = #tpu.core_type<sc_vector_subcore>, window_params = [{transform_indices = #map}, {transform_indices = #map1}, {transform_indices = #map1}, {transform_indices = #map}]} {
    %mul3A = arith.constant 2 : i32
    %mul3A_0 = arith.muli %arg1, %mul3A : i32
    %add3A = arith.addi %mul3A_0, %arg0 : i32
    %lt3A = arith.constant 15 : i32
    %lt3A_1 = arith.cmpi slt, %arg1, %lt3A : i32
    %convert_element_type3A = arith.extui %lt3A_1 : i1 to i32
    %cond3A = arith.constant 0 : i32
    %cond3A_2 = arith.cmpi ne, %convert_element_type3A, %cond3A : i32
    scf.if %cond3A_2 {
      %mul3A_23 = arith.constant 624 : i32
      %mul3A_24 = arith.muli %arg1, %mul3A_23 : i32
      %mul3A_25 = arith.constant 624 : i32
      %mul3A_26 = arith.muli %arg1, %mul3A_25 : i32
      "tpu.region"() ({
        %run_scoped3A = tpu.sem_alloc : memref<!tpu.dma_semaphore, #tpu.memory_space<semaphore_mem>>
        %dma_start3A = arith.constant 0 : i32
        %dma_start3A_27 = tpu.memref_slice %arg8[%mul3A_26, %dma_start3A] : memref<10000x16xf32, #tpu.memory_space<vmem_shared>> -> memref<624x16xf32, #tpu.memory_space<vmem_shared>>
        %dma_start3A_28 = arith.constant 0 : i32
        %dma_start3A_29 = tpu.memref_slice %arg4[%mul3A_24, %dma_start3A_28] : memref<10000x16xf32, #tpu.memory_space<hbm>> -> memref<624x16xf32, #tpu.memory_space<hbm>>
        tpu.enqueue_dma source(%dma_start3A_29 : memref<624x16xf32, #tpu.memory_space<hbm>>) target(%dma_start3A_27 : memref<624x16xf32, #tpu.memory_space<vmem_shared>>) target_semaphore(%run_scoped3A : memref<!tpu.dma_semaphore, #tpu.memory_space<semaphore_mem>>)
        %dma_wait3A = arith.constant 0 : i32
        %dma_wait3A_30 = tpu.memref_slice %arg8[%mul3A_26, %dma_wait3A] : memref<10000x16xf32, #tpu.memory_space<vmem_shared>> -> memref<624x16xf32, #tpu.memory_space<vmem_shared>>
        %dma_wait3A_31 = arith.constant 0 : i32
        %dma_wait3A_32 = tpu.memref_slice %arg4[%mul3A_24, %dma_wait3A_31] : memref<10000x16xf32, #tpu.memory_space<hbm>> -> memref<624x16xf32, #tpu.memory_space<hbm>>
        tpu.wait_dma2 semaphore(%run_scoped3A : memref<!tpu.dma_semaphore, #tpu.memory_space<semaphore_mem>>) src(%dma_wait3A_32 : memref<624x16xf32, #tpu.memory_space<hbm>>) dst(%dma_wait3A_30 : memref<624x16xf32, #tpu.memory_space<vmem_shared>>)
        tpu.yield
      }) : () -> ()
    } else {
    }
    %eq3A = arith.constant 15 : i32
    %eq3A_3 = arith.cmpi eq, %arg1, %eq3A : i32
    %convert_element_type3A_4 = arith.extui %eq3A_3 : i1 to i32
    %cond3A_5 = arith.constant 0 : i32
    %cond3A_6 = arith.cmpi ne, %convert_element_type3A_4, %cond3A_5 : i32
    scf.if %cond3A_6 {
      "tpu.region"() ({
        %run_scoped3A = tpu.sem_alloc : memref<!tpu.dma_semaphore, #tpu.memory_space<semaphore_mem>>
        %dma_start3A = arith.constant 9360 : i32
        %dma_start3A_23 = arith.constant 0 : i32
        %dma_start3A_24 = tpu.memref_slice %arg8[%dma_start3A, %dma_start3A_23] : memref<10000x16xf32, #tpu.memory_space<vmem_shared>> -> memref<640x16xf32, #tpu.memory_space<vmem_shared>>
        %dma_start3A_25 = arith.constant 9360 : i32
        %dma_start3A_26 = arith.constant 0 : i32
        %dma_start3A_27 = tpu.memref_slice %arg4[%dma_start3A_25, %dma_start3A_26] : memref<10000x16xf32, #tpu.memory_space<hbm>> -> memref<640x16xf32, #tpu.memory_space<hbm>>
        tpu.enqueue_dma source(%dma_start3A_27 : memref<640x16xf32, #tpu.memory_space<hbm>>) target(%dma_start3A_24 : memref<640x16xf32, #tpu.memory_space<vmem_shared>>) target_semaphore(%run_scoped3A : memref<!tpu.dma_semaphore, #tpu.memory_space<semaphore_mem>>)
        %dma_wait3A = arith.constant 9360 : i32
        %dma_wait3A_28 = arith.constant 0 : i32
        %dma_wait3A_29 = tpu.memref_slice %arg8[%dma_wait3A, %dma_wait3A_28] : memref<10000x16xf32, #tpu.memory_space<vmem_shared>> -> memref<640x16xf32, #tpu.memory_space<vmem_shared>>
        %dma_wait3A_30 = arith.constant 9360 : i32
        %dma_wait3A_31 = arith.constant 0 : i32
        %dma_wait3A_32 = tpu.memref_slice %arg4[%dma_wait3A_30, %dma_wait3A_31] : memref<10000x16xf32, #tpu.memory_space<hbm>> -> memref<640x16xf32, #tpu.memory_space<hbm>>
        tpu.wait_dma2 semaphore(%run_scoped3A : memref<!tpu.dma_semaphore, #tpu.memory_space<semaphore_mem>>) src(%dma_wait3A_32 : memref<640x16xf32, #tpu.memory_space<hbm>>) dst(%dma_wait3A_29 : memref<640x16xf32, #tpu.memory_space<vmem_shared>>)
        tpu.yield
      }) : () -> ()
    } else {
    }
    "tpu.region"() ({
      %run_scoped3A = tpu.sem_alloc : memref<!tpu.dma_semaphore, #tpu.memory_space<semaphore_mem>>
      %dma_start3A = arith.constant 0 : i32
      %dma_start3A_23 = arith.constant 0 : i32
      %dma_start3A_24 = tpu.memref_slice %arg2[%add3A, %dma_start3A, %dma_start3A_23] : memref<32x80x125xi32, #tpu.memory_space<hbm>> -> memref<1x80x125xi32, #tpu.memory_space<hbm>>
      %dma_start3A_25 = tpu.memref_squeeze %dma_start3A_24 : memref<1x80x125xi32, #tpu.memory_space<hbm>> -> memref<80x125xi32, #tpu.memory_space<hbm>>
      %dma_start3A_26 = arith.constant 0 : i32
      %dma_start3A_27 = arith.constant 0 : i32
      %dma_start3A_28 = tpu.memref_slice %arg2[%add3A, %dma_start3A_26, %dma_start3A_27] : memref<32x80x125xi32, #tpu.memory_space<hbm>> -> memref<1x80x125xi32, #tpu.memory_space<hbm>>
      %dma_start3A_29 = tpu.memref_squeeze %dma_start3A_28 : memref<1x80x125xi32, #tpu.memory_space<hbm>> -> memref<80x125xi32, #tpu.memory_space<hbm>>
      tpu.enqueue_dma source(%dma_start3A_29 : memref<80x125xi32, #tpu.memory_space<hbm>>) target(%arg6 : memref<80x125xi32, #tpu.memory_space<vmem>>) target_semaphore(%run_scoped3A : memref<!tpu.dma_semaphore, #tpu.memory_space<semaphore_mem>>)
      %dma_wait3A = arith.constant 0 : i32
      %dma_wait3A_30 = arith.constant 0 : i32
      %dma_wait3A_31 = tpu.memref_slice %arg2[%add3A, %dma_wait3A, %dma_wait3A_30] : memref<32x80x125xi32, #tpu.memory_space<hbm>> -> memref<1x80x125xi32, #tpu.memory_space<hbm>>
      %dma_wait3A_32 = tpu.memref_squeeze %dma_wait3A_31 : memref<1x80x125xi32, #tpu.memory_space<hbm>> -> memref<80x125xi32, #tpu.memory_space<hbm>>
      %dma_wait3A_33 = arith.constant 0 : i32
      %dma_wait3A_34 = arith.constant 0 : i32
      %dma_wait3A_35 = tpu.memref_slice %arg2[%add3A, %dma_wait3A_33, %dma_wait3A_34] : memref<32x80x125xi32, #tpu.memory_space<hbm>> -> memref<1x80x125xi32, #tpu.memory_space<hbm>>
      %dma_wait3A_36 = tpu.memref_squeeze %dma_wait3A_35 : memref<1x80x125xi32, #tpu.memory_space<hbm>> -> memref<80x125xi32, #tpu.memory_space<hbm>>
      tpu.wait_dma2 semaphore(%run_scoped3A : memref<!tpu.dma_semaphore, #tpu.memory_space<semaphore_mem>>) src(%dma_wait3A_36 : memref<80x125xi32, #tpu.memory_space<hbm>>) dst(%arg6 : memref<80x125xi32, #tpu.memory_space<vmem>>)
      tpu.yield
    }) : () -> ()
    "tpu.region"() ({
      %run_scoped3A = tpu.sem_alloc : memref<!tpu.dma_semaphore, #tpu.memory_space<semaphore_mem>>
      tpu.enqueue_dma source(%arg3 : memref<125x16xf32, #tpu.memory_space<hbm>>) target(%arg7 : memref<125x16xf32, #tpu.memory_space<vmem>>) target_semaphore(%run_scoped3A : memref<!tpu.dma_semaphore, #tpu.memory_space<semaphore_mem>>)
      tpu.wait_dma2 semaphore(%run_scoped3A : memref<!tpu.dma_semaphore, #tpu.memory_space<semaphore_mem>>) src(%arg3 : memref<125x16xf32, #tpu.memory_space<hbm>>) dst(%arg7 : memref<125x16xf32, #tpu.memory_space<vmem>>)
      tpu.yield
    }) : () -> ()
    %barrier3A = arith.constant 0 : index
    tpu.barrier barrier_id(%barrier3A)
    %scan3A = arith.constant 0 : i32
    %scan3A_7 = arith.constant 0 : i32
    %scan3A_8 = arith.constant 80 : i32
    %scan3A_9 = arith.addi %scan3A_7, %scan3A_8 : i32
    %scan3A_10 = arith.constant 1 : i32
    scf.for %scan3A_23 = %scan3A_7 to %scan3A_9 step %scan3A_10  : i32 {
      "tpu.region"() ({
        %run_scoped3A = tpu.sem_alloc : memref<!tpu.dma_semaphore, #tpu.memory_space<semaphore_mem>>
        %dma_start3A = arith.constant 0 : i32
        %dma_start3A_24 = tpu.memref_slice %arg6[%scan3A_23, %dma_start3A] : memref<80x125xi32, #tpu.memory_space<vmem>> -> memref<1x125xi32, #tpu.memory_space<vmem>>
        %dma_start3A_25 = tpu.memref_squeeze %dma_start3A_24 : memref<1x125xi32, #tpu.memory_space<vmem>> -> memref<125xi32, #tpu.memory_space<vmem>>
        %dma_start3A_26 = arith.constant 0 : i32
        %dma_start3A_27 = arith.constant 0 : i32
        %dma_start3A_28 = tpu.memref_slice %arg8[%dma_start3A_26, %dma_start3A_27] : memref<10000x16xf32, #tpu.memory_space<vmem_shared>> -> memref<10000x16xf32, #tpu.memory_space<vmem_shared>>
        tpu.enqueue_indirect_dma source(%arg7 : memref<125x16xf32, #tpu.memory_space<vmem>>) target(%dma_start3A_28 : memref<10000x16xf32, #tpu.memory_space<vmem_shared>>) offsets(%dma_start3A_25 : memref<125xi32, #tpu.memory_space<vmem>>) semaphore(%run_scoped3A : memref<!tpu.dma_semaphore, #tpu.memory_space<semaphore_mem>>) {add = true}
        %dma_wait3A = arith.constant 0 : i32
        %dma_wait3A_29 = tpu.memref_slice %arg6[%scan3A_23, %dma_wait3A] : memref<80x125xi32, #tpu.memory_space<vmem>> -> memref<1x125xi32, #tpu.memory_space<vmem>>
        %dma_wait3A_30 = tpu.memref_squeeze %dma_wait3A_29 : memref<1x125xi32, #tpu.memory_space<vmem>> -> memref<125xi32, #tpu.memory_space<vmem>>
        %dma_wait3A_31 = arith.constant 0 : i32
        %dma_wait3A_32 = arith.constant 0 : i32
        %dma_wait3A_33 = tpu.memref_slice %arg8[%dma_wait3A_31, %dma_wait3A_32] : memref<10000x16xf32, #tpu.memory_space<vmem_shared>> -> memref<10000x16xf32, #tpu.memory_space<vmem_shared>>
        tpu.wait_indirect_dma semaphore(%run_scoped3A : memref<!tpu.dma_semaphore, #tpu.memory_space<semaphore_mem>>) src(%arg7 : memref<125x16xf32, #tpu.memory_space<vmem>>) dst(%dma_wait3A_33 : memref<10000x16xf32, #tpu.memory_space<vmem_shared>>)
        tpu.yield
      }) : () -> ()
    }
    %scan3A_11 = arith.constant 80 : i32
    %barrier3A_12 = arith.constant 0 : index
    tpu.barrier barrier_id(%barrier3A_12)
    %lt3A_13 = arith.constant 15 : i32
    %lt3A_14 = arith.cmpi slt, %arg1, %lt3A_13 : i32
    %convert_element_type3A_15 = arith.extui %lt3A_14 : i1 to i32
    %cond3A_16 = arith.constant 0 : i32
    %cond3A_17 = arith.cmpi ne, %convert_element_type3A_15, %cond3A_16 : i32
    scf.if %cond3A_17 {
      %mul3A_23 = arith.constant 624 : i32
      %mul3A_24 = arith.muli %arg1, %mul3A_23 : i32
      %mul3A_25 = arith.constant 624 : i32
      %mul3A_26 = arith.muli %arg1, %mul3A_25 : i32
      "tpu.region"() ({
        %run_scoped3A = tpu.sem_alloc : memref<!tpu.dma_semaphore, #tpu.memory_space<semaphore_mem>>
        %dma_start3A = arith.constant 0 : i32
        %dma_start3A_27 = tpu.memref_slice %arg5[%arg0, %mul3A_26, %dma_start3A] : memref<2x10000x16xf32, #tpu.memory_space<hbm>> -> memref<1x624x16xf32, #tpu.memory_space<hbm>>
        %dma_start3A_28 = tpu.memref_squeeze %dma_start3A_27 : memref<1x624x16xf32, #tpu.memory_space<hbm>> -> memref<624x16xf32, #tpu.memory_space<hbm>>
        %dma_start3A_29 = arith.constant 0 : i32
        %dma_start3A_30 = tpu.memref_slice %arg8[%mul3A_24, %dma_start3A_29] : memref<10000x16xf32, #tpu.memory_space<vmem_shared>> -> memref<624x16xf32, #tpu.memory_space<vmem_shared>>
        tpu.enqueue_dma source(%dma_start3A_30 : memref<624x16xf32, #tpu.memory_space<vmem_shared>>) target(%dma_start3A_28 : memref<624x16xf32, #tpu.memory_space<hbm>>) target_semaphore(%run_scoped3A : memref<!tpu.dma_semaphore, #tpu.memory_space<semaphore_mem>>)
        %dma_wait3A = arith.constant 0 : i32
        %dma_wait3A_31 = tpu.memref_slice %arg5[%arg0, %mul3A_26, %dma_wait3A] : memref<2x10000x16xf32, #tpu.memory_space<hbm>> -> memref<1x624x16xf32, #tpu.memory_space<hbm>>
        %dma_wait3A_32 = tpu.memref_squeeze %dma_wait3A_31 : memref<1x624x16xf32, #tpu.memory_space<hbm>> -> memref<624x16xf32, #tpu.memory_space<hbm>>
        %dma_wait3A_33 = arith.constant 0 : i32
        %dma_wait3A_34 = tpu.memref_slice %arg8[%mul3A_24, %dma_wait3A_33] : memref<10000x16xf32, #tpu.memory_space<vmem_shared>> -> memref<624x16xf32, #tpu.memory_space<vmem_shared>>
        tpu.wait_dma2 semaphore(%run_scoped3A : memref<!tpu.dma_semaphore, #tpu.memory_space<semaphore_mem>>) src(%dma_wait3A_34 : memref<624x16xf32, #tpu.memory_space<vmem_shared>>) dst(%dma_wait3A_32 : memref<624x16xf32, #tpu.memory_space<hbm>>)
        tpu.yield
      }) : () -> ()
    } else {
    }
    %eq3A_18 = arith.constant 15 : i32
    %eq3A_19 = arith.cmpi eq, %arg1, %eq3A_18 : i32
    %convert_element_type3A_20 = arith.extui %eq3A_19 : i1 to i32
    %cond3A_21 = arith.constant 0 : i32
    %cond3A_22 = arith.cmpi ne, %convert_element_type3A_20, %cond3A_21 : i32
    scf.if %cond3A_22 {
      "tpu.region"() ({
        %run_scoped3A = tpu.sem_alloc : memref<!tpu.dma_semaphore, #tpu.memory_space<semaphore_mem>>
        %dma_start3A = arith.constant 9360 : i32
        %dma_start3A_23 = arith.constant 0 : i32
        %dma_start3A_24 = tpu.memref_slice %arg5[%arg0, %dma_start3A, %dma_start3A_23] : memref<2x10000x16xf32, #tpu.memory_space<hbm>> -> memref<1x640x16xf32, #tpu.memory_space<hbm>>
        %dma_start3A_25 = tpu.memref_squeeze %dma_start3A_24 : memref<1x640x16xf32, #tpu.memory_space<hbm>> -> memref<640x16xf32, #tpu.memory_space<hbm>>
        %dma_start3A_26 = arith.constant 9360 : i32
        %dma_start3A_27 = arith.constant 0 : i32
        %dma_start3A_28 = tpu.memref_slice %arg8[%dma_start3A_26, %dma_start3A_27] : memref<10000x16xf32, #tpu.memory_space<vmem_shared>> -> memref<640x16xf32, #tpu.memory_space<vmem_shared>>
        tpu.enqueue_dma source(%dma_start3A_28 : memref<640x16xf32, #tpu.memory_space<vmem_shared>>) target(%dma_start3A_25 : memref<640x16xf32, #tpu.memory_space<hbm>>) target_semaphore(%run_scoped3A : memref<!tpu.dma_semaphore, #tpu.memory_space<semaphore_mem>>)
        %dma_wait3A = arith.constant 9360 : i32
        %dma_wait3A_29 = arith.constant 0 : i32
        %dma_wait3A_30 = tpu.memref_slice %arg5[%arg0, %dma_wait3A, %dma_wait3A_29] : memref<2x10000x16xf32, #tpu.memory_space<hbm>> -> memref<1x640x16xf32, #tpu.memory_space<hbm>>
        %dma_wait3A_31 = tpu.memref_squeeze %dma_wait3A_30 : memref<1x640x16xf32, #tpu.memory_space<hbm>> -> memref<640x16xf32, #tpu.memory_space<hbm>>
        %dma_wait3A_32 = arith.constant 9360 : i32
        %dma_wait3A_33 = arith.constant 0 : i32
        %dma_wait3A_34 = tpu.memref_slice %arg8[%dma_wait3A_32, %dma_wait3A_33] : memref<10000x16xf32, #tpu.memory_space<vmem_shared>> -> memref<640x16xf32, #tpu.memory_space<vmem_shared>>
        tpu.wait_dma2 semaphore(%run_scoped3A : memref<!tpu.dma_semaphore, #tpu.memory_space<semaphore_mem>>) src(%dma_wait3A_34 : memref<640x16xf32, #tpu.memory_space<vmem_shared>>) dst(%dma_wait3A_31 : memref<640x16xf32, #tpu.memory_space<hbm>>)
        tpu.yield
      }) : () -> ()
    } else {
    }
    return
  }
}

module attributes {stable_mosaic.version = 14 : i64} {
  func.func @_mm_scale_body(%arg0: i32, %arg1: memref<2000x128xf32, #tpu.memory_space<vmem>>, %arg2: memref<128x128xf32, #tpu.memory_space<vmem>>, %arg3: memref<2000x16xf32, #tpu.memory_space<vmem>>, %arg4: memref<2000x16xf32, #tpu.memory_space<vmem>>, %arg5: memref<2000x128xf32, #tpu.memory_space<vmem>>) attributes {dimension_semantics = [#tpu.dimension_semantics<arbitrary>], iteration_bounds = array<i64: 5>, scalar_prefetch = 0 : i64, scratch_operands = 0 : i64, tpu.core_type = #tpu.core_type<tc>, window_params = [{transform_indices = @transform_0, window_bounds = array<i64: 2000, 128>}, {pipeline_mode = #tpu.pipeline_mode<synchronous>, transform_indices = @transform_1, window_bounds = array<i64: 128, 128>}, {transform_indices = @transform_2, window_bounds = array<i64: 2000, 16>}, {transform_indices = @transform_3, window_bounds = array<i64: 2000, 16>}, {transform_indices = @transform_4, window_bounds = array<i64: 2000, 128>}]} {
    %get3A = arith.constant 0 : index
    %get3A_0 = arith.constant 0 : index
    %get3A_1 = vector.load %arg3[%get3A, %get3A_0] : memref<2000x16xf32, #tpu.memory_space<vmem>>, vector<2000x16xf32>
    %slice3A = vector.extract_strided_slice %get3A_1 {offsets = [0, 0], sizes = [2000, 1], strides = [1, 1]} : vector<2000x16xf32> to vector<2000x1xf32>
    %get3A_2 = arith.constant 0 : index
    %get3A_3 = arith.constant 0 : index
    %get3A_4 = vector.load %arg4[%get3A_2, %get3A_3] : memref<2000x16xf32, #tpu.memory_space<vmem>>, vector<2000x16xf32>
    %slice3A_5 = vector.extract_strided_slice %get3A_4 {offsets = [0, 0], sizes = [2000, 1], strides = [1, 1]} : vector<2000x16xf32> to vector<2000x1xf32>
    %add3A = arith.addf %slice3A, %slice3A_5 : vector<2000x1xf32>
    %add3A_6 = arith.constant 1.000000e+00 : f32
    %add3A_7 = vector.broadcast %add3A_6 : f32 to vector<2000x1xf32>
    %add3A_8 = arith.addf %add3A, %add3A_7 : vector<2000x1xf32>
    %rsqrt3A = math.rsqrt %add3A_8 : vector<2000x1xf32>
    %get3A_9 = arith.constant 0 : index
    %get3A_10 = arith.constant 0 : index
    %get3A_11 = vector.load %arg1[%get3A_9, %get3A_10] : memref<2000x128xf32, #tpu.memory_space<vmem>>, vector<2000x128xf32>
    %get3A_12 = arith.constant 0 : index
    %get3A_13 = arith.constant 0 : index
    %get3A_14 = vector.load %arg2[%get3A_12, %get3A_13] : memref<128x128xf32, #tpu.memory_space<vmem>>, vector<128x128xf32>
    %dot_general3A = arith.constant dense<0.000000e+00> : vector<2000x128xf32>
    %dot_general3A_15 = tpu.matmul %get3A_11, %get3A_14, %dot_general3A {dimension_numbers = #tpu.dot_dimension_numbers<[1], [0], [0], [1], [0, 0, 1, 1], [], []>, transpose_lhs_hint = false} : vector<2000x128xf32>, vector<128x128xf32>, vector<2000x128xf32> -> vector<2000x128xf32>
    %mul3A = vector.broadcast %rsqrt3A : vector<2000x1xf32> to vector<2000x128xf32>
    %mul3A_16 = arith.mulf %dot_general3A_15, %mul3A : vector<2000x128xf32>
    %swap3A = arith.constant 0 : index
    %swap3A_17 = arith.constant 0 : index
    %swap3A_18 = vector.load %arg5[%swap3A, %swap3A_17] : memref<2000x128xf32, #tpu.memory_space<vmem>>, vector<2000x128xf32>
    tpu.vector_store %arg5[%swap3A, %swap3A_17], %mul3A_16 {strides = array<i32>} : memref<2000x128xf32, #tpu.memory_space<vmem>>, vector<2000x128xf32>,
    return
  }
  func.func @transform_0(%arg0: i32) -> (i32, i32) {
    %c0_i32 = arith.constant 0 : i32
    %c0_i32_0 = arith.constant 0 : i32
    return %arg0, %c0_i32 : i32, i32
  }
  func.func @transform_1(%arg0: i32) -> (i32, i32) {
    %c0_i32 = arith.constant 0 : i32
    %c0_i32_0 = arith.constant 0 : i32
    %c0_i32_1 = arith.constant 0 : i32
    return %c0_i32, %c0_i32_0 : i32, i32
  }
  func.func @transform_2(%arg0: i32) -> (i32, i32) {
    %c0_i32 = arith.constant 0 : i32
    %c0_i32_0 = arith.constant 0 : i32
    return %arg0, %c0_i32 : i32, i32
  }
  func.func @transform_3(%arg0: i32) -> (i32, i32) {
    %c0_i32 = arith.constant 0 : i32
    %c0_i32_0 = arith.constant 0 : i32
    return %arg0, %c0_i32 : i32, i32
  }
  func.func @transform_4(%arg0: i32) -> (i32, i32) {
    %c0_i32 = arith.constant 0 : i32
    %c0_i32_0 = arith.constant 0 : i32
    return %arg0, %c0_i32 : i32, i32
  }
}

module attributes {stable_mosaic.version = 14 : i64} {
  func.func @_layer_mid_body(%arg0: i32, %arg1: memref<2000x128xf32, #tpu.memory_space<vmem>>, %arg2: memref<2000x128xf32, #tpu.memory_space<vmem>>, %arg3: memref<2000x128xf32, #tpu.memory_space<vmem>>, %arg4: memref<2000x16xf32, #tpu.memory_space<vmem>>, %arg5: memref<2000x16xf32, #tpu.memory_space<vmem>>, %arg6: memref<1x128xf32, #tpu.memory_space<vmem>>, %arg7: memref<128x128xf32, #tpu.memory_space<vmem>>, %arg8: memref<2000x128xf32, #tpu.memory_space<vmem>>) attributes {dimension_semantics = [#tpu.dimension_semantics<arbitrary>], iteration_bounds = array<i64: 5>, scalar_prefetch = 0 : i64, scratch_operands = 0 : i64, tpu.core_type = #tpu.core_type<tc>, window_params = [{transform_indices = @transform_0, window_bounds = array<i64: 2000, 128>}, {transform_indices = @transform_1, window_bounds = array<i64: 2000, 128>}, {transform_indices = @transform_2, window_bounds = array<i64: 2000, 128>}, {transform_indices = @transform_3, window_bounds = array<i64: 2000, 16>}, {transform_indices = @transform_4, window_bounds = array<i64: 2000, 16>}, {pipeline_mode = #tpu.pipeline_mode<synchronous>, transform_indices = @transform_5, window_bounds = array<i64: 1, 128>}, {pipeline_mode = #tpu.pipeline_mode<synchronous>, transform_indices = @transform_6, window_bounds = array<i64: 128, 128>}, {transform_indices = @transform_7, window_bounds = array<i64: 2000, 128>}]} {
    %get3A = arith.constant 0 : index
    %get3A_0 = arith.constant 0 : index
    %get3A_1 = vector.load %arg4[%get3A, %get3A_0] : memref<2000x16xf32, #tpu.memory_space<vmem>>, vector<2000x16xf32>
    %slice3A = vector.extract_strided_slice %get3A_1 {offsets = [0, 0], sizes = [2000, 1], strides = [1, 1]} : vector<2000x16xf32> to vector<2000x1xf32>
    %get3A_2 = arith.constant 0 : index
    %get3A_3 = arith.constant 0 : index
    %get3A_4 = vector.load %arg5[%get3A_2, %get3A_3] : memref<2000x16xf32, #tpu.memory_space<vmem>>, vector<2000x16xf32>
    %slice3A_5 = vector.extract_strided_slice %get3A_4 {offsets = [0, 0], sizes = [2000, 1], strides = [1, 1]} : vector<2000x16xf32> to vector<2000x1xf32>
    %add3A = arith.addf %slice3A, %slice3A_5 : vector<2000x1xf32>
    %add3A_6 = arith.constant 1.000000e+00 : f32
    %add3A_7 = vector.broadcast %add3A_6 : f32 to vector<2000x1xf32>
    %add3A_8 = arith.addf %add3A, %add3A_7 : vector<2000x1xf32>
    %rsqrt3A = math.rsqrt %add3A_8 : vector<2000x1xf32>
    %get3A_9 = arith.constant 0 : index
    %get3A_10 = arith.constant 0 : index
    %get3A_11 = vector.load %arg1[%get3A_9, %get3A_10] : memref<2000x128xf32, #tpu.memory_space<vmem>>, vector<2000x128xf32>
    %get3A_12 = arith.constant 0 : index
    %get3A_13 = arith.constant 0 : index
    %get3A_14 = vector.load %arg2[%get3A_12, %get3A_13] : memref<2000x128xf32, #tpu.memory_space<vmem>>, vector<2000x128xf32>
    %add3A_15 = arith.addf %get3A_11, %get3A_14 : vector<2000x128xf32>
    %get3A_16 = arith.constant 0 : index
    %get3A_17 = arith.constant 0 : index
    %get3A_18 = vector.load %arg3[%get3A_16, %get3A_17] : memref<2000x128xf32, #tpu.memory_space<vmem>>, vector<2000x128xf32>
    %add3A_19 = arith.addf %add3A_15, %get3A_18 : vector<2000x128xf32>
    %mul3A = vector.broadcast %rsqrt3A : vector<2000x1xf32> to vector<2000x128xf32>
    %mul3A_20 = arith.mulf %add3A_19, %mul3A : vector<2000x128xf32>
    %get3A_21 = arith.constant 0 : index
    %get3A_22 = arith.constant 0 : index
    %get3A_23 = vector.load %arg6[%get3A_21, %get3A_22] : memref<1x128xf32, #tpu.memory_space<vmem>>, vector<1x128xf32>
    %add3A_24 = vector.broadcast %get3A_23 : vector<1x128xf32> to vector<2000x128xf32>
    %add3A_25 = arith.addf %mul3A_20, %add3A_24 : vector<2000x128xf32>
    %max3A = arith.constant 0.000000e+00 : f32
    %max3A_26 = vector.broadcast %max3A : f32 to vector<2000x128xf32>
    %max3A_27 = arith.maximumf %add3A_25, %max3A_26 : vector<2000x128xf32>
    %get3A_28 = arith.constant 0 : index
    %get3A_29 = arith.constant 0 : index
    %get3A_30 = vector.load %arg7[%get3A_28, %get3A_29] : memref<128x128xf32, #tpu.memory_space<vmem>>, vector<128x128xf32>
    %dot_general3A = arith.constant dense<0.000000e+00> : vector<2000x128xf32>
    %dot_general3A_31 = tpu.matmul %max3A_27, %get3A_30, %dot_general3A {dimension_numbers = #tpu.dot_dimension_numbers<[1], [0], [0], [1], [0, 0, 1, 1], [], []>, transpose_lhs_hint = false} : vector<2000x128xf32>, vector<128x128xf32>, vector<2000x128xf32> -> vector<2000x128xf32>
    %mul3A_32 = vector.broadcast %rsqrt3A : vector<2000x1xf32> to vector<2000x128xf32>
    %mul3A_33 = arith.mulf %dot_general3A_31, %mul3A_32 : vector<2000x128xf32>
    %swap3A = arith.constant 0 : index
    %swap3A_34 = arith.constant 0 : index
    %swap3A_35 = vector.load %arg8[%swap3A, %swap3A_34] : memref<2000x128xf32, #tpu.memory_space<vmem>>, vector<2000x128xf32>
    tpu.vector_store %arg8[%swap3A, %swap3A_34], %mul3A_33 {strides = array<i32>} : memref<2000x128xf32, #tpu.memory_space<vmem>>, vector<2000x128xf32>,
    return
  }
  func.func @transform_0(%arg0: i32) -> (i32, i32) {
    %c0_i32 = arith.constant 0 : i32
    %c0_i32_0 = arith.constant 0 : i32
    return %arg0, %c0_i32 : i32, i32
  }
  func.func @transform_1(%arg0: i32) -> (i32, i32) {
    %c0_i32 = arith.constant 0 : i32
    %c0_i32_0 = arith.constant 0 : i32
    return %arg0, %c0_i32 : i32, i32
  }
  func.func @transform_2(%arg0: i32) -> (i32, i32) {
    %c0_i32 = arith.constant 0 : i32
    %c0_i32_0 = arith.constant 0 : i32
    return %arg0, %c0_i32 : i32, i32
  }
  func.func @transform_3(%arg0: i32) -> (i32, i32) {
    %c0_i32 = arith.constant 0 : i32
    %c0_i32_0 = arith.constant 0 : i32
    return %arg0, %c0_i32 : i32, i32
  }
  func.func @transform_4(%arg0: i32) -> (i32, i32) {
    %c0_i32 = arith.constant 0 : i32
    %c0_i32_0 = arith.constant 0 : i32
    return %arg0, %c0_i32 : i32, i32
  }
  func.func @transform_5(%arg0: i32) -> (i32, i32) {
    %c0_i32 = arith.constant 0 : i32
    %c0_i32_0 = arith.constant 0 : i32
    %c0_i32_1 = arith.constant 0 : i32
    return %c0_i32, %c0_i32_0 : i32, i32
  }
  func.func @transform_6(%arg0: i32) -> (i32, i32) {
    %c0_i32 = arith.constant 0 : i32
    %c0_i32_0 = arith.constant 0 : i32
    %c0_i32_1 = arith.constant 0 : i32
    return %c0_i32, %c0_i32_0 : i32, i32
  }
  func.func @transform_7(%arg0: i32) -> (i32, i32) {
    %c0_i32 = arith.constant 0 : i32
    %c0_i32_0 = arith.constant 0 : i32
    return %arg0, %c0_i32 : i32, i32
  }
}

module attributes {stable_mosaic.version = 14 : i64} {
  func.func @_final_body(%arg0: i32, %arg1: memref<2000x128xf32, #tpu.memory_space<vmem>>, %arg2: memref<2000x128xf32, #tpu.memory_space<vmem>>, %arg3: memref<2000x128xf32, #tpu.memory_space<vmem>>, %arg4: memref<2000x16xf32, #tpu.memory_space<vmem>>, %arg5: memref<2000x16xf32, #tpu.memory_space<vmem>>, %arg6: memref<1x64xf32, #tpu.memory_space<vmem>>, %arg7: memref<2000x64xf32, #tpu.memory_space<vmem>>) attributes {dimension_semantics = [#tpu.dimension_semantics<arbitrary>], iteration_bounds = array<i64: 5>, scalar_prefetch = 0 : i64, scratch_operands = 0 : i64, tpu.core_type = #tpu.core_type<tc>, window_params = [{transform_indices = @transform_0, window_bounds = array<i64: 2000, 128>}, {transform_indices = @transform_1, window_bounds = array<i64: 2000, 128>}, {transform_indices = @transform_2, window_bounds = array<i64: 2000, 128>}, {transform_indices = @transform_3, window_bounds = array<i64: 2000, 16>}, {transform_indices = @transform_4, window_bounds = array<i64: 2000, 16>}, {pipeline_mode = #tpu.pipeline_mode<synchronous>, transform_indices = @transform_5, window_bounds = array<i64: 1, 64>}, {transform_indices = @transform_6, window_bounds = array<i64: 2000, 64>}]} {
    %get3A = arith.constant 0 : index
    %get3A_0 = arith.constant 0 : index
    %get3A_1 = vector.load %arg4[%get3A, %get3A_0] : memref<2000x16xf32, #tpu.memory_space<vmem>>, vector<2000x16xf32>
    %slice3A = vector.extract_strided_slice %get3A_1 {offsets = [0, 0], sizes = [2000, 1], strides = [1, 1]} : vector<2000x16xf32> to vector<2000x1xf32>
    %get3A_2 = arith.constant 0 : index
    %get3A_3 = arith.constant 0 : index
    %get3A_4 = vector.load %arg5[%get3A_2, %get3A_3] : memref<2000x16xf32, #tpu.memory_space<vmem>>, vector<2000x16xf32>
    %slice3A_5 = vector.extract_strided_slice %get3A_4 {offsets = [0, 0], sizes = [2000, 1], strides = [1, 1]} : vector<2000x16xf32> to vector<2000x1xf32>
    %add3A = arith.addf %slice3A, %slice3A_5 : vector<2000x1xf32>
    %add3A_6 = arith.constant 1.000000e+00 : f32
    %add3A_7 = vector.broadcast %add3A_6 : f32 to vector<2000x1xf32>
    %add3A_8 = arith.addf %add3A, %add3A_7 : vector<2000x1xf32>
    %rsqrt3A = math.rsqrt %add3A_8 : vector<2000x1xf32>
    %get3A_9 = arith.constant 0 : index
    %get3A_10 = arith.constant 0 : index
    %get3A_11 = vector.load %arg1[%get3A_9, %get3A_10] : memref<2000x128xf32, #tpu.memory_space<vmem>>, vector<2000x128xf32>
    %slice3A_12 = vector.extract_strided_slice %get3A_11 {offsets = [0, 0], sizes = [2000, 64], strides = [1, 1]} : vector<2000x128xf32> to vector<2000x64xf32>
    %get3A_13 = arith.constant 0 : index
    %get3A_14 = arith.constant 0 : index
    %get3A_15 = vector.load %arg2[%get3A_13, %get3A_14] : memref<2000x128xf32, #tpu.memory_space<vmem>>, vector<2000x128xf32>
    %slice3A_16 = vector.extract_strided_slice %get3A_15 {offsets = [0, 0], sizes = [2000, 64], strides = [1, 1]} : vector<2000x128xf32> to vector<2000x64xf32>
    %add3A_17 = arith.addf %slice3A_12, %slice3A_16 : vector<2000x64xf32>
    %get3A_18 = arith.constant 0 : index
    %get3A_19 = arith.constant 0 : index
    %get3A_20 = vector.load %arg3[%get3A_18, %get3A_19] : memref<2000x128xf32, #tpu.memory_space<vmem>>, vector<2000x128xf32>
    %slice3A_21 = vector.extract_strided_slice %get3A_20 {offsets = [0, 0], sizes = [2000, 64], strides = [1, 1]} : vector<2000x128xf32> to vector<2000x64xf32>
    %add3A_22 = arith.addf %add3A_17, %slice3A_21 : vector<2000x64xf32>
    %mul3A = vector.broadcast %rsqrt3A : vector<2000x1xf32> to vector<2000x64xf32>
    %mul3A_23 = arith.mulf %add3A_22, %mul3A : vector<2000x64xf32>
    %get3A_24 = arith.constant 0 : index
    %get3A_25 = arith.constant 0 : index
    %get3A_26 = vector.load %arg6[%get3A_24, %get3A_25] : memref<1x64xf32, #tpu.memory_space<vmem>>, vector<1x64xf32>
    %add3A_27 = vector.broadcast %get3A_26 : vector<1x64xf32> to vector<2000x64xf32>
    %add3A_28 = arith.addf %mul3A_23, %add3A_27 : vector<2000x64xf32>
    %swap3A = arith.constant 0 : index
    %swap3A_29 = arith.constant 0 : index
    %swap3A_30 = vector.load %arg7[%swap3A, %swap3A_29] : memref<2000x64xf32, #tpu.memory_space<vmem>>, vector<2000x64xf32>
    tpu.vector_store %arg7[%swap3A, %swap3A_29], %add3A_28 {strides = array<i32>} : memref<2000x64xf32, #tpu.memory_space<vmem>>, vector<2000x64xf32>,
    return
  }
  func.func @transform_0(%arg0: i32) -> (i32, i32) {
    %c0_i32 = arith.constant 0 : i32
    %c0_i32_0 = arith.constant 0 : i32
    return %arg0, %c0_i32 : i32, i32
  }
  func.func @transform_1(%arg0: i32) -> (i32, i32) {
    %c0_i32 = arith.constant 0 : i32
    %c0_i32_0 = arith.constant 0 : i32
    return %arg0, %c0_i32 : i32, i32
  }
  func.func @transform_2(%arg0: i32) -> (i32, i32) {
    %c0_i32 = arith.constant 0 : i32
    %c0_i32_0 = arith.constant 0 : i32
    return %arg0, %c0_i32 : i32, i32
  }
  func.func @transform_3(%arg0: i32) -> (i32, i32) {
    %c0_i32 = arith.constant 0 : i32
    %c0_i32_0 = arith.constant 0 : i32
    return %arg0, %c0_i32 : i32, i32
  }
  func.func @transform_4(%arg0: i32) -> (i32, i32) {
    %c0_i32 = arith.constant 0 : i32
    %c0_i32_0 = arith.constant 0 : i32
    return %arg0, %c0_i32 : i32, i32
  }
  func.func @transform_5(%arg0: i32) -> (i32, i32) {
    %c0_i32 = arith.constant 0 : i32
    %c0_i32_0 = arith.constant 0 : i32
    %c0_i32_1 = arith.constant 0 : i32
    return %c0_i32, %c0_i32_0 : i32, i32
  }
  func.func @transform_6(%arg0: i32) -> (i32, i32) {
    %c0_i32 = arith.constant 0 : i32
    %c0_i32_0 = arith.constant 0 : i32
    return %arg0, %c0_i32 : i32, i32
  }
}

</mosaic_0001>

<sc_bundles>
// kernel: kernel.11.cloned.1.call-start
scs
__scs_entry_jumppad:
0x0: {  	(pc) =	sbr.rel $0x88, $3  }
0x1: {  	(tag) =	ssettag $0x0;
	lr =	simm.s32 $0x1  }
0x2: {  	[smem:$0x3F9B] =	sst lr;
	_ =	strace $0xD0000000  }
0x3: {  	_ = 	snop  }
0x4: {  	_ = 	snop  }
0x5: {  	_ = 	snop  }
0x6: {  	_ = 	snop  }
0x7: {  	_ = 	snop  }
__scs_overlays_trampoline_lowered:
0x8: {  	[smem:$0x3FAA] =	sst s0  }
0x9: {  	[smem:$0x3FAB] =	sst s1  }
0xa: {  	[smem:$0x3FAC] =	sst s2  }
0xb: {  	[smem:$0x3FAD] =	sst s3  }
0xc: {  	[smem:$0x3FAE] =	sst s4  }
0xd: {  	[smem:$0x3FAF] =	sst s5  }
0xe: {  	[smem:$0x3FB0] =	sst s6  }
0xf: {  	[smem:$0x3FB1] =	sst s7  }
0x10: {  	[smem:$0x3FB2] =	sst s8  }
0x11: {  	[smem:$0x3FB3] =	sst s9;
	s0 =	simm.s32 @!p0 $0x0  }
0x12: {  	s1 =	sld [smem:$0x3F99];
	s0 =	simm.s32 @p0 $0x1  }
0x13: {  	[smem:$0x3FB4] =	sst s0;
	s0 =	simm.s32 @!p1 $0x0  }
0x14: {  	s2 =	sld [smem:$0x3F98];
	s0 =	simm.s32 @p1 $0x1  }
0x15: {  	[smem:$0x3FB5] =	sst s0;
	s0 =	simm.s32 @!p2 $0x0  }
0x16: {  	s3 =	sld [smem:$0x3FDB];
	s0 =	simm.s32 @p2 $0x1  }
0x17: {  	s4 =	simm.s32 $0x1BF5;
	[smem:$0x3FB7] =	sst s0  }
0x18: {  	s0 =	sld [smem:$0x3F9A];
	_ =	swait.ge [sflag:s4], $0x0  }
0x19: {  	s7 =	sld [smem:$0x3F9B]  }
0x1a: {  	s8 =	sadd.s32 $0xFFFFE003, lr  }
0x1b: {  	s9 =	sadd.s32 $0xFFFFFEF7, lr;
	s5 =	simm.s32 $0xFFFFFFFF;
	p2 =	slt.u32 s8, $0xFFFFF086  }
0x1c: {  	p1 =	slt.u32 s9, $0xF7A;
	s5 =	simm.s32 @!p2 $0x0  }
0x1d: {  	s5 =	simm.s32 @p1 $0x1;
	p0 =	seq.s32 s7, s2  }
0x1e: {  	s7 =	smul.u32 @!p0 $0xF7A, s2;
	p2 =	seq.s32 @!p0 s5, $0x0  }
0x1f: {  	s9 =	smul.u32 $0xF7A, s1;
	s8 =	simm.s32 @!p0 $0x1BF5;
	p2 =	por !p2, p0  }
0x20: {  	[sflag:s8] =	ssyncset.s32 @!p0 $0xFFFFF086;
	s6 =	sadd.s32 @!p0 s3, s7;
	s7 =	simm.s32 @!p0 $0x108  }
0x21: {  	s3 =	sadd.s32 s3, s9;
	s6 =	sadd.s32 @!p0 $0x88, s6;
	s7 =	simm.s32 @p2 $0x1082  }
0x22: {  	[simem:s7], [sflag:s8] =	dma.local @!p0 [hbm:s6], $0xF7A  }
0x23: {  	s9 =	sor.u32 $0xD0000000, s2;
	s6 =	simm.s32 $0x108;
	_ =	swait.ge @!p0 [sflag:s8], $0x0  }
0x24: {  	s3 =	sadd.s32 $0x88, s3;
	s6 =	simm.s32 @!p1 $0x1082;
	[sflag:s4] =	ssyncset.s32 $0xFFFFF086  }
0x25: {  	[simem:s6], [sflag:s4] =	dma.local [hbm:s3], $0xF7A  }
0x26: {  	[smem:$0x3F9B] =	sst s1;
	(tag) =	ssettag s2;
	_ =	strace s9  }
0x27: {  	s1 =	sld [smem:$0x3FAB]  }
0x28: {  	s2 =	sld [smem:$0x3FAC]  }
0x29: {  	s4 =	sld [smem:$0x3FAE]  }
0x2a: {  	p0 =	seq.s32 s5, $0x0;
	s5 =	sld [smem:$0x3FAF]  }
0x2b: {  	s6 =	sld [smem:$0x3FB0]  }
0x2c: {  	s7 =	sld [smem:$0x3FB1]  }
0x2d: {  	s3 =	simm.s32 $0x108;
	s8 =	sld [smem:$0x3FB2]  }
0x2e: {  	s3 =	simm.s32 @!p0 $0x1082;
	s9 =	sld [smem:$0x3FB3]  }
0x2f: {  	lr =	sadd.s32 s0, s3;
	s0 =	sld [smem:$0x3FAA]  }
0x30: {  	s3 =	sld [smem:$0x3FAD]  }
0x31: {  	[smem:$0x3FB6] =	sst s10  }
0x32: {  	s10 =	sld [smem:$0x3FB4];
	_ =	sdelay $0x3  }
0x33: {  	p0 =	seq.s32 s10, $0x1;
	s10 =	sld [smem:$0x3FB6];
	_ =	sdelay $0x3  }
0x34: {  	[smem:$0x3FB6] =	sst s10  }
0x35: {  	s10 =	sld [smem:$0x3FB5];
	_ =	sdelay $0x3  }
0x36: {  	p1 =	seq.s32 s10, $0x1;
	s10 =	sld [smem:$0x3FB6];
	_ =	sdelay $0x3  }
0x37: {  	[smem:$0x3FB6] =	sst s10  }
0x38: {  	s10 =	sld [smem:$0x3FB7]  }
0x39: {  	_ = 	snop;
	(pc) =	sbr.ind lr, $3  }
0x3a: {  	_ = 	snop  }
0x3b: {  	_ = 	snop  }
0x3c: {  	p2 =	seq.s32 s10, $0x1;
	s10 =	sld [smem:$0x3FB6]  }
0x3d: {  	_ =	shalt  }
0x3e: {  	_ =	shalt  }
0x3f: {  	_ =	shalt  }
0x40: {  	_ =	shalt  }
0x41: {  	_ =	shalt  }
0x42: {  	_ =	shalt  }
0x43: {  	_ =	shalt  }
0x44: {  	_ =	shalt  }
0x45: {  	_ =	shalt  }
0x46: {  	_ =	shalt  }
0x47: {  	_ =	shalt  }
0x48: {  	_ =	shalt  }
0x49: {  	_ =	shalt  }
0x4a: {  	_ =	shalt  }
0x4b: {  	_ =	shalt  }
0x4c: {  	_ =	shalt  }
0x4d: {  	_ =	shalt  }
0x4e: {  	_ =	shalt  }
0x4f: {  	_ =	shalt  }
0x50: {  	_ =	shalt  }
0x51: {  	_ =	shalt  }
0x52: {  	_ =	shalt  }
0x53: {  	_ =	shalt  }
0x54: {  	_ =	shalt  }
0x55: {  	_ =	shalt  }
0x56: {  	_ =	shalt  }
0x57: {  	_ =	shalt  }
0x58: {  	_ =	shalt  }
0x59: {  	_ =	shalt  }
0x5a: {  	_ =	shalt  }
0x5b: {  	_ =	shalt  }
0x5c: {  	_ =	shalt  }
0x5d: {  	_ =	shalt  }
0x5e: {  	_ =	shalt  }
0x5f: {  	_ =	shalt  }
0x60: {  	_ =	shalt  }
0x61: {  	_ =	shalt  }
0x62: {  	_ =	shalt  }
0x63: {  	_ =	shalt  }
0x64: {  	_ =	shalt  }
0x65: {  	_ =	shalt  }
0x66: {  	_ =	shalt  }
0x67: {  	_ =	shalt  }
0x68: {  	_ =	shalt  }
0x69: {  	_ =	shalt  }
0x6a: {  	_ =	shalt  }
0x6b: {  	_ =	shalt  }
0x6c: {  	_ =	shalt  }
0x6d: {  	_ =	shalt  }
0x6e: {  	_ =	shalt  }
0x6f: {  	_ =	shalt  }
0x70: {  	_ =	shalt  }
0x71: {  	_ =	shalt  }
0x72: {  	_ =	shalt  }
0x73: {  	_ =	shalt  }
0x74: {  	_ =	shalt  }
0x75: {  	_ =	shalt  }
0x76: {  	_ =	shalt  }
0x77: {  	_ =	shalt  }
0x78: {  	_ =	shalt  }
0x79: {  	_ =	shalt  }
0x7a: {  	_ =	shalt  }
0x7b: {  	_ =	shalt  }
0x7c: {  	_ =	shalt  }
0x7d: {  	_ =	shalt  }
0x7e: {  	_ =	shalt  }
0x7f: {  	_ =	shalt  }
0x80: {  	_ =	shalt  }
0x81: {  	_ =	shalt  }
0x82: {  	_ =	shalt  }
0x83: {  	_ =	shalt  }
0x84: {  	_ =	shalt  }
0x85: {  	_ =	shalt  }
0x86: {  	_ =	shalt  }
0x87: {  	_ =	shalt  }
.Lfunc_end0:
.L_simem_size_0:
called_computation.1_lowered:
.L_overlay_start_0:
0x88: {  	s2 =	sld [smem:$0x3FD9]  }
0x89: {  	s3 =	sld [smem:$0x3FFE];
	_ =	sdelay $0x1  }
0x8a: {  	s1 =	srdreg.scid  }
0x8b: {  	s0 =	sand.u32 $0x1, s1  }
0x8c: {  	s17 =	sshll.u32 s0, $0xA;
	s2 =	sadd.s32 s3, s2  }
0x8d: {  	s2 =	sadd.s32 s2, s17  }
0x8e: {  	[smem:$0x3FC2] =	sst s2  }
0x8f: {  	_ = 	snop  }
0x90: {  	s2 =	sld [smem:$0x3FD0];
	(tm) =	ssettm $0x1  }
0x91: {  	s18 =	sld [smem:$0x3FFB];
	_ =	sdelay $0x3  }
0x92: {  	_ =	strace s18  }
0x93: {  	s3 =	sld [smem:$0x3FFC];
	_ =	sdelay $0x3  }
0x94: {  	_ =	strace s3  }
0x95: {  	s3 =	sld [smem:$0x3FFD];
	_ =	sdelay $0x3  }
0x96: {  	_ =	strace s3  }
0x97: {  	_ =	strace $0x8FFFFFFF  }
0x98: {  	s19 =	sld [smem:$0x3FDB];
	_ =	sdelay $0x1  }
0x99: {  	s4 =	simm.s32 $_scs_section_size  }
0x9a: {  	s5 =	simm.s32 $_size__tile_overlayer_lowered;
	s6 =	simm.s32 $_tile_overlayer_lowered  }
0x9b: {  	s22 =	simm.s32 $0x1BFF;
	s21 =	sshll.u32 s6, $0x1;
	s3 =	sadd.s32 s4, s19  }
0x9c: {  	s7 =	simm.s32 $0x0;
	s20 =	sshll.u32 s5, $0x1;
	s5 =	sadd.s32 s21, s3  }
0x9d: {  	[timem:s7], [sflag:s22] =	dma.local [hbm:s5], s20  }
0x9e: {  	_ =	swait.ge [sflag:s22], s20  }
0x9f: {  	s4 =	ssub.s32 $0x0, s20;
	[sflag:s22] =	ssyncset.done $0x0  }
0xa0: {  	[sflag:s22] =	ssyncadd.s32 s4;
	_ =	sdelay $0x1  }
0xa1: {  	s23 =	simm.s32 $0x1B8B  }
0xa2: {  	_ =	swait.ge [sflag:s23], $0x1  }
0xa3: {  	[sflag:s23] =	ssyncset.done $0x0  }
0xa4: {  	s25 =	simm.s32 $0x1B8E;
	s24 =	sld [smem:$0x3FFE];
	[sflag:s23] =	ssyncadd.s32 $0xFFFFFFFF  }
0xa5: {  	s26 =	simm.s32 $execute0_lowered;
	[smem:$0x3FD2] =	sst s25  }
0xa6: {  	s5 =	sshll.u32 s26, $0x1;
	_ =	strace $0x80000049;
	[dreg:$0x1] =	wrdreg $0xFFFFFFFF  }
0xa7: {  	s28 =	simm.s32 $_size_execute0_lowered;
	s3 =	sadd.s32 s3, s5;
	[dreg:$0x0] =	wrdreg $0x0  }
0xa8: {  	s5 =	sshll.u32 s28, $0x1;
	[dreg:$0x2] =	wrdreg s3  }
0xa9: {  	[dreg:$0x3] =	wrdreg s5  }
0xaa: {  	[dreg:$0x4] =	wrdreg $0xC0  }
0xab: {  	_ =	task [dreg:s7], $0x5FFFF  }
0xac: {  	[dreg:$0x1] =	wrdreg $0xFFFFFFFF  }
0xad: {  	[dreg:$0x0] =	wrdreg $0x60  }
0xae: {  	[dreg:$0x2] =	wrdreg s24  }
0xaf: {  	[dreg:$0x3] =	wrdreg s2  }
0xb0: {  	[dreg:$0x4] =	wrdreg $0x90000  }
0xb1: {  	[dreg:$0x5] =	wrdreg $0x9  }
0xb2: {  	_ =	task.clear_ibuf [dreg:s7], $0x6FFFF;
	_ =	strace $0x90000049  }
0xb3: {  	s29 =	simm.s32 $0x9;
	_ =	strace $0x8000004B  }
0xb4: {  	_ =	swait.ge [sflag:s29], $0x1  }
0xb5: {  	[sflag:s29] =	ssyncadd.s32 $0xFFFFFFFF  }
0xb6: {  	_ =	strace $0x9000004B  }
0xb7: {  	_ =	sfence  }
0xb8: {  	s30 =	sld [smem:$0x0];
	_ =	sdelay $0x2  }
0xb9: {  	s31 =	sshll.u32 s1, $0xD;
	s1 =	sshrl.u32 s1, $0x2  }
0xba: {  	s3 =	sand.u32 $0x4000, s31;
	s1 =	sadd.s32 s1, s30  }
0xbb: {  	s0 =	sor.u32 s3, s0;
	s1 =	sshll.u32 s1, $0x11  }
0xbc: {  	s0 =	sor.u32 s1, s0  }
0xbd: {  	s0 =	sadd.s32 $0x8F2B, s0  }
0xbe: {  	[sflag:s0] =	ssyncadd.remote.s32 $0x1  }
0xbf: {  	_ =	sfence.sel $0xFFFF  }
0xc0: {  	[dreg:$0x0] =	wrdreg $0xFFFFFFFF;
	(pc) =	sbr.abs _section_cstart, $3  }
0xc1: {  	[dreg:$0x1] =	wrdreg $0xFFFFFFFF  }
0xc2: {  	_ =	task.clear_ibuf [dreg:s7], $0x2FFFF;
	_ =	strace $0x9FFFFFFF  }
0xc3: {  	(tm) =	ssettm $0x7FFFFFFF  }
tec
execute0_lowered:
.L_overlay_start_1:
0x0: {  	(tag) =	ssettag $0x1  }
0x1: {  	s6 =	rddreg [dreg:$0x0];
	s1 =	srdreg.scid  }
0x2: {  	s0 =	stileid.u32;
	s8 =	rddreg [dreg:$0x1]  }
0x3: {  	s2 =	rddreg [dreg:$0x2];
	s3 =	simm.s32 $0x0;
	s17 =	simm.s32 $0x7D  }
0x4: {  	s18 =	simm.s32 $0x5000;
	s19 =	simm.s32 $0x1;
	s20 =	simm.s32 $0x0  }
0x5: {  	s5 =	sand.u32 $0x1, s1;
	s1 =	rddreg [dreg:$0x3];
	s7 =	smul.u32 $0x2700, s0  }
0x6: {  	s25 =	sshll.u32 s0, $0x1;
	[smem:$0x7FF] =	sst s3;
	s12 =	smul.u32 $0x4E000, s0  }
0x7: {  	s13 =	sadd.s32 $0xA9A00, s6;
	s28 =	smul.u32 $0x13800, s0;
	s16 =	sadd.s32 $0x124800, s2  }
0x8: {  	p0 =	seq.s32 s0, $0xF;
	s4 =	sor.u32 s5, s25;
	s15 =	smul.u32 $0x138800, s5  }
0x9: {  	_ =	strace $0x8000004A;
	s11 =	ssub.s32 $0x2, s5;
	s9 =	smul.u32 $0x500, s4  }
0xa: {  	s4 =	sadd.s32 $0x51000, s6;
	s7 =	sadd.s32 s7, s6;
	s14 =	sshrl.u32 s11, $0x1  }
0xb: {  	s26 =	sshrl.u32 s12, $0x2;
	s12 =	sshrl.u32 @p0 s16, $0x3;
	s16 =	simm.s32 $0x2800  }
0xc: {  	s11 =	ssub.s32 s11, s14;
	s14 =	sadd.s32 s26, s2;
	s5 =	sadd.s32 $0x82800, s7  }
0xd: {  	s29 =	sadd.s32 s28, s15;
	s31 =	sshrl.u32 s15, $0x3;
	s15 =	simm.s32 $0x2  }
0xe: {  	s10 =	sadd.s32 s9, s6;
	s6 =	sadd.s32 $0xA7100, s6;
	s8 =	sadd.s32 s8, s9  }
0xf: {  	s30 =	sshrl.u32 s29, $0x3;
	s11 =	smax.u32 s11, $0x1;
	s7 =	sadd.s32 $0x78800, s10  }
0x10: {  	s9 =	sadd.s32 s13, s30;
	s10 =	sadd.s32 s13, s31;
	s13 =	sshll.u32 @!p0 s0, $0x6  }
0x11: {  	s14 =	sshrl.u32 @!p0 s14, $0x3;
	s10 =	sadd.s32 $0x24900, s10;
	s13 =	sor.u32 @!p0 $0x1C02, s13  }
.LBB2_1:
0x12: {  	s21 =	simm.s32 @p0 $0x1FC2  }
0x13: {  	[spmem:s12], [sflag:s21] =	dma.local @p0 [hbm:s6], $0x2800  }
0x14: {  	s21 =	simm.s32 @p0 $0x2  }
0x15: {  	_ =	swait.ge @p0 [sflag:s21], $0x2800  }
0x16: {  	[sflag:s21] =	ssyncset.done @p0 $0x0  }
0x17: {  	[sflag:s21] =	ssyncadd.s32 @p0 $0xFFFFD800;
	s21 =	simm.s32 @!p0 $0x2  }
0x18: {  	[spmem:s14], [sflag:s13] =	dma.local @!p0 [hbm:s5], $0x2700  }
0x19: {  	_ =	swait.ge @!p0 [sflag:s21], $0x2700  }
0x1a: {  	[sflag:s21] =	ssyncset.done @!p0 $0x0  }
0x1b: {  	[sflag:s21] =	ssyncadd.s32 @!p0 $0xFFFFD900  }
0x1c: {  	[tilespmem:s3], [sflag:$0x2] =	stream.linear.gather [hbm4b:s7+s3], $0x2800, $0x38;
	[tilespmem:$0x1C880] =	vst v63  }
0x1d: {  	_ =	swait.ge [sflag:s15], $0x2800  }
0x1e: {  	[sflag:s15] =	ssyncset.done $0x0  }
0x1f: {  	[sflag:s15] =	ssyncadd.s32 $0xFFFFD800  }
0x20: {  	[tilespmem:s16], [sflag:$0x2] =	stream.linear.gather [hbm4b:s8+s3], $0x2800, $0x38;
	[tilespmem:$0x1C880] =	vst v63  }
0x21: {  	_ =	swait.ge [sflag:s15], $0x2800  }
0x22: {  	[sflag:s15] =	ssyncset.done $0x0  }
0x23: {  	[sflag:s15] =	ssyncadd.s32 $0xFFFFD800  }
0x24: {  	s30 =	simm.s32 $0x0;
	[bflag:$0x0] =	sbarrier.arrive $0xFFFF  }
0x25: {  	[tilespmem:s18], [sflag:$0x1] =	stream.indirect.gather [hbm4b:s4+s17], $0x80, s30, s17, $0xb8;
	[tilespmem:$0x1C880] =	vst v63  }
0x26: {  	_ =	swait.ge [sflag:s19], $0x3E80  }
0x27: {  	[sflag:s19] =	ssyncset.done $0x0  }
0x28: {  	s31 =	simm.s32 $0x2800;
	[sflag:s19] =	ssyncadd.s32 $0xFFFFC180  }
0x29: {  	[spmem:s2] =	stream.indirect.scatter.add.f32 [tilespmem:s18], [sflag:$0x2], $0x80, s31, s17, $0xb8;
	[tilespmem:$0x1C880] =	vst v63  }
0x2a: {  	_ =	swait.ge [sflag:s15], $0x3E80  }
0x2b: {  	s22 =	simm.s32 $0x400;
	s21 =	simm.s32 $0x200;
	[sflag:s15] =	ssyncset.done $0x0  }
.LBB2_2:
0x2c: {  	s23 =	sshra.s32 s21, $0x2  }
0x2d: {  	[sflag:s15] =	ssyncadd.s32 $0xFFFFC180;
	s21 =	smov.u32 s22;
	s24 =	sadd.s32 $0x200, s22  }
0x2e: {  	[tilespmem:s18], [sflag:$0x1] =	stream.indirect.gather [hbm4b:s4+s17], $0x80, s23, s17, $0xb8;
	[tilespmem:$0x1C880] =	vst v63  }
0x2f: {  	p1 =	sne.s32 s22, $0x9E00;
	_ =	swait.ge [sflag:s19], $0x3E80  }
.Ltmp0:
0x30: {  	[sflag:s19] =	ssyncset.done $0x0;
	(pc) =	sbr.rel @p1 .LBB2_2-.Ltmp0, $4  }
0x31: {  	s22 =	sadd.s32 $0x2800, s23;
	[sflag:s19] =	ssyncadd.s32 $0xFFFFC180  }
0x32: {  	[spmem:s2] =	stream.indirect.scatter.add.f32 [tilespmem:s18], [sflag:$0x2], $0x80, s22, s17, $0xb8;
	[tilespmem:$0x1C880] =	vst v63  }
0x33: {  	_ =	swait.ge [sflag:s15], $0x3E80  }
0x34: {  	s22 =	smov.u32 s24;
	[sflag:s15] =	ssyncset.done $0x0  }
0x35: {  	s21 =	sshra.s32 s21, $0x2;
	[sflag:s15] =	ssyncadd.s32 $0xFFFFC180  }
0x36: {  	[tilespmem:s18], [sflag:$0x1] =	stream.indirect.gather [hbm4b:s4+s17], $0x80, s21, s17, $0xb8;
	[tilespmem:$0x1C880] =	vst v63  }
0x37: {  	_ =	swait.ge [sflag:s19], $0x3E80  }
0x38: {  	[sflag:s19] =	ssyncset.done $0x0  }
0x39: {  	s21 =	sadd.s32 $0x2800, s21;
	[sflag:s19] =	ssyncadd.s32 $0xFFFFC180  }
0x3a: {  	[spmem:s2] =	stream.indirect.scatter.add.f32 [tilespmem:s18], [sflag:$0x2], $0x80, s21, s17, $0xb8;
	[tilespmem:$0x1C880] =	vst v63  }
0x3b: {  	_ =	swait.ge [sflag:s15], $0x3E80  }
0x3c: {  	[sflag:s15] =	ssyncset.done $0x0  }
0x3d: {  	[sflag:s15] =	ssyncadd.s32 $0xFFFFC180  }
0x3e: {  	s21 =	simm.s32 @p0 $0x1FC2;
	[bflag:$0x0] =	sbarrier.arrive $0xFFFF  }
0x3f: {  	[hbm:s10], [sflag:s21] =	dma.local @p0 [spmem:s12], $0x2800  }
0x40: {  	s21 =	simm.s32 @p0 $0x2  }
0x41: {  	s20 =	sadd.s32 $0x1, s20;
	_ =	swait.ge @p0 [sflag:s21], $0x2800  }
0x42: {  	p1 =	sne.s32 s20, s11;
	[sflag:s21] =	ssyncset.done @p0 $0x0  }
.Ltmp1:
0x43: {  	[sflag:s21] =	ssyncadd.s32 @p0 $0xFFFFD800;
	s21 =	simm.s32 @!p0 $0x2;
	(pc) =	sbr.rel @p1 .LBB2_1-.Ltmp1, $4  }
0x44: {  	[hbm:s9], [sflag:s13] =	dma.local @!p0 [spmem:s14], $0x2700  }
0x45: {  	_ =	swait.ge @!p0 [sflag:s21], $0x2700  }
0x46: {  	[sflag:s21] =	ssyncset.done @!p0 $0x0  }
0x47: {  	[sflag:s21] =	ssyncadd.s32 @!p0 $0xFFFFD900  }
0x48: {  	_ =	sfence.sel $0x180000  }
0x49: {  	[bflag:$0x0] =	sbarrier.arrive $0xFFFF  }
0x4a: {  	p0 =	sne.s32 s0, $0x0;
	_ =	strace $0x9000004A  }
0x4b: {  	s0 =	sadd.s32 @!p0 $0x100000, s1;
	[bflag:$0x2] =	sbarrier.arrive $0xFFFF  }
0x4c: {  	[sflag:s0] =	ssyncadd.tile.s32 @!p0 $0x1;
	_ =	shalt  }
.Lfunc_end2:
_tile_overlayer_lowered:
.L_overlay_start_2:
0x4d: {  	(tag) =	ssettag $0x2  }
0x4e: {  	s0 =	rddreg [dreg:$0x0];
	s2 =	stileid.u32  }
0x4f: {  	s1 =	rddreg [dreg:$0x1];
	p0 =	sne.s32 s2, $0x0  }
0x50: {  	s3 =	rddreg [dreg:$0x2];
	[bflag:$0x3] =	sbarrier.arrive $0xFFFF;
	s2 =	simm.s32 @!p0 $0x1C02  }
0x51: {  	[timem:s3], [sflag:s2] =	dma.local @!p0 [hbm:s0], s1  }
0x52: {  	s0 =	simm.s32 @!p0 $0x2  }
0x53: {  	_ =	swait.ge @!p0 [sflag:s0], s1  }
0x54: {  	s1 =	ssub.s32 @!p0 $0x0, s1;
	[sflag:s0] =	ssyncset.done @!p0 $0x0  }
0x55: {  	[sflag:s0] =	ssyncadd.s32 @!p0 s1  }
0x56: {  	[bflag:$0x3] =	sbarrier.arrive $0xFFFF  }
0x57: {  	_ =	shalt  }

// kernel: kernel.14.cloned.1.call-start
scs
__scs_entry_jumppad:
0x0: {  	(pc) =	sbr.rel $0x88, $3  }
0x1: {  	(tag) =	ssettag $0x0;
	lr =	simm.s32 $0x1  }
0x2: {  	[smem:$0x3F9B] =	sst lr;
	_ =	strace $0xD0000000  }
0x3: {  	_ = 	snop  }
0x4: {  	_ = 	snop  }
0x5: {  	_ = 	snop  }
0x6: {  	_ = 	snop  }
0x7: {  	_ = 	snop  }
__scs_overlays_trampoline_lowered:
0x8: {  	[smem:$0x3FAA] =	sst s0  }
0x9: {  	[smem:$0x3FAB] =	sst s1  }
0xa: {  	[smem:$0x3FAC] =	sst s2  }
0xb: {  	[smem:$0x3FAD] =	sst s3  }
0xc: {  	[smem:$0x3FAE] =	sst s4  }
0xd: {  	[smem:$0x3FAF] =	sst s5  }
0xe: {  	[smem:$0x3FB0] =	sst s6  }
0xf: {  	[smem:$0x3FB1] =	sst s7  }
0x10: {  	[smem:$0x3FB2] =	sst s8  }
0x11: {  	[smem:$0x3FB3] =	sst s9;
	s0 =	simm.s32 @!p0 $0x0  }
0x12: {  	s1 =	sld [smem:$0x3F99];
	s0 =	simm.s32 @p0 $0x1  }
0x13: {  	[smem:$0x3FB4] =	sst s0;
	s0 =	simm.s32 @!p1 $0x0  }
0x14: {  	s2 =	sld [smem:$0x3F98];
	s0 =	simm.s32 @p1 $0x1  }
0x15: {  	[smem:$0x3FB5] =	sst s0;
	s0 =	simm.s32 @!p2 $0x0  }
0x16: {  	s3 =	sld [smem:$0x3FDB];
	s0 =	simm.s32 @p2 $0x1  }
0x17: {  	s4 =	simm.s32 $0x1BF5;
	[smem:$0x3FB7] =	sst s0  }
0x18: {  	s0 =	sld [smem:$0x3F9A];
	_ =	swait.ge [sflag:s4], $0x0  }
0x19: {  	s7 =	sld [smem:$0x3F9B]  }
0x1a: {  	s8 =	sadd.s32 $0xFFFFE003, lr  }
0x1b: {  	s9 =	sadd.s32 $0xFFFFFEF7, lr;
	s5 =	simm.s32 $0xFFFFFFFF;
	p2 =	slt.u32 s8, $0xFFFFF086  }
0x1c: {  	p1 =	slt.u32 s9, $0xF7A;
	s5 =	simm.s32 @!p2 $0x0  }
0x1d: {  	s5 =	simm.s32 @p1 $0x1;
	p0 =	seq.s32 s7, s2  }
0x1e: {  	s7 =	smul.u32 @!p0 $0xF7A, s2;
	p2 =	seq.s32 @!p0 s5, $0x0  }
0x1f: {  	s9 =	smul.u32 $0xF7A, s1;
	s8 =	simm.s32 @!p0 $0x1BF5;
	p2 =	por !p2, p0  }
0x20: {  	[sflag:s8] =	ssyncset.s32 @!p0 $0xFFFFF086;
	s6 =	sadd.s32 @!p0 s3, s7;
	s7 =	simm.s32 @!p0 $0x108  }
0x21: {  	s3 =	sadd.s32 s3, s9;
	s6 =	sadd.s32 @!p0 $0x88, s6;
	s7 =	simm.s32 @p2 $0x1082  }
0x22: {  	[simem:s7], [sflag:s8] =	dma.local @!p0 [hbm:s6], $0xF7A  }
0x23: {  	s9 =	sor.u32 $0xD0000000, s2;
	s6 =	simm.s32 $0x108;
	_ =	swait.ge @!p0 [sflag:s8], $0x0  }
0x24: {  	s3 =	sadd.s32 $0x88, s3;
	s6 =	simm.s32 @!p1 $0x1082;
	[sflag:s4] =	ssyncset.s32 $0xFFFFF086  }
0x25: {  	[simem:s6], [sflag:s4] =	dma.local [hbm:s3], $0xF7A  }
0x26: {  	[smem:$0x3F9B] =	sst s1;
	(tag) =	ssettag s2;
	_ =	strace s9  }
0x27: {  	s1 =	sld [smem:$0x3FAB]  }
0x28: {  	s2 =	sld [smem:$0x3FAC]  }
0x29: {  	s4 =	sld [smem:$0x3FAE]  }
0x2a: {  	p0 =	seq.s32 s5, $0x0;
	s5 =	sld [smem:$0x3FAF]  }
0x2b: {  	s6 =	sld [smem:$0x3FB0]  }
0x2c: {  	s7 =	sld [smem:$0x3FB1]  }
0x2d: {  	s3 =	simm.s32 $0x108;
	s8 =	sld [smem:$0x3FB2]  }
0x2e: {  	s3 =	simm.s32 @!p0 $0x1082;
	s9 =	sld [smem:$0x3FB3]  }
0x2f: {  	lr =	sadd.s32 s0, s3;
	s0 =	sld [smem:$0x3FAA]  }
0x30: {  	s3 =	sld [smem:$0x3FAD]  }
0x31: {  	[smem:$0x3FB6] =	sst s10  }
0x32: {  	s10 =	sld [smem:$0x3FB4];
	_ =	sdelay $0x3  }
0x33: {  	p0 =	seq.s32 s10, $0x1;
	s10 =	sld [smem:$0x3FB6];
	_ =	sdelay $0x3  }
0x34: {  	[smem:$0x3FB6] =	sst s10  }
0x35: {  	s10 =	sld [smem:$0x3FB5];
	_ =	sdelay $0x3  }
0x36: {  	p1 =	seq.s32 s10, $0x1;
	s10 =	sld [smem:$0x3FB6];
	_ =	sdelay $0x3  }
0x37: {  	[smem:$0x3FB6] =	sst s10  }
0x38: {  	s10 =	sld [smem:$0x3FB7]  }
0x39: {  	_ = 	snop;
	(pc) =	sbr.ind lr, $3  }
0x3a: {  	_ = 	snop  }
0x3b: {  	_ = 	snop  }
0x3c: {  	p2 =	seq.s32 s10, $0x1;
	s10 =	sld [smem:$0x3FB6]  }
0x3d: {  	_ =	shalt  }
0x3e: {  	_ =	shalt  }
0x3f: {  	_ =	shalt  }
0x40: {  	_ =	shalt  }
0x41: {  	_ =	shalt  }
0x42: {  	_ =	shalt  }
0x43: {  	_ =	shalt  }
0x44: {  	_ =	shalt  }
0x45: {  	_ =	shalt  }
0x46: {  	_ =	shalt  }
0x47: {  	_ =	shalt  }
0x48: {  	_ =	shalt  }
0x49: {  	_ =	shalt  }
0x4a: {  	_ =	shalt  }
0x4b: {  	_ =	shalt  }
0x4c: {  	_ =	shalt  }
0x4d: {  	_ =	shalt  }
0x4e: {  	_ =	shalt  }
0x4f: {  	_ =	shalt  }
0x50: {  	_ =	shalt  }
0x51: {  	_ =	shalt  }
0x52: {  	_ =	shalt  }
0x53: {  	_ =	shalt  }
0x54: {  	_ =	shalt  }
0x55: {  	_ =	shalt  }
0x56: {  	_ =	shalt  }
0x57: {  	_ =	shalt  }
0x58: {  	_ =	shalt  }
0x59: {  	_ =	shalt  }
0x5a: {  	_ =	shalt  }
0x5b: {  	_ =	shalt  }
0x5c: {  	_ =	shalt  }
0x5d: {  	_ =	shalt  }
0x5e: {  	_ =	shalt  }
0x5f: {  	_ =	shalt  }
0x60: {  	_ =	shalt  }
0x61: {  	_ =	shalt  }
0x62: {  	_ =	shalt  }
0x63: {  	_ =	shalt  }
0x64: {  	_ =	shalt  }
0x65: {  	_ =	shalt  }
0x66: {  	_ =	shalt  }
0x67: {  	_ =	shalt  }
0x68: {  	_ =	shalt  }
0x69: {  	_ =	shalt  }
0x6a: {  	_ =	shalt  }
0x6b: {  	_ =	shalt  }
0x6c: {  	_ =	shalt  }
0x6d: {  	_ =	shalt  }
0x6e: {  	_ =	shalt  }
0x6f: {  	_ =	shalt  }
0x70: {  	_ =	shalt  }
0x71: {  	_ =	shalt  }
0x72: {  	_ =	shalt  }
0x73: {  	_ =	shalt  }
0x74: {  	_ =	shalt  }
0x75: {  	_ =	shalt  }
0x76: {  	_ =	shalt  }
0x77: {  	_ =	shalt  }
0x78: {  	_ =	shalt  }
0x79: {  	_ =	shalt  }
0x7a: {  	_ =	shalt  }
0x7b: {  	_ =	shalt  }
0x7c: {  	_ =	shalt  }
0x7d: {  	_ =	shalt  }
0x7e: {  	_ =	shalt  }
0x7f: {  	_ =	shalt  }
0x80: {  	_ =	shalt  }
0x81: {  	_ =	shalt  }
0x82: {  	_ =	shalt  }
0x83: {  	_ =	shalt  }
0x84: {  	_ =	shalt  }
0x85: {  	_ =	shalt  }
0x86: {  	_ =	shalt  }
0x87: {  	_ =	shalt  }
.Lfunc_end0:
.L_simem_size_0:
called_computation.2_lowered:
.L_overlay_start_0:
0x88: {  	s2 =	sld [smem:$0x3FD9]  }
0x89: {  	s3 =	sld [smem:$0x3FFE];
	_ =	sdelay $0x1  }
0x8a: {  	s1 =	srdreg.scid  }
0x8b: {  	s0 =	sand.u32 $0x1, s1  }
0x8c: {  	s17 =	sshll.u32 s0, $0xA;
	s2 =	sadd.s32 s3, s2  }
0x8d: {  	s2 =	sadd.s32 s2, s17  }
0x8e: {  	[smem:$0x3FC2] =	sst s2  }
0x8f: {  	_ = 	snop  }
0x90: {  	s2 =	sld [smem:$0x3FD0];
	(tm) =	ssettm $0x1  }
0x91: {  	s18 =	sld [smem:$0x3FFB];
	_ =	sdelay $0x3  }
0x92: {  	_ =	strace s18  }
0x93: {  	s3 =	sld [smem:$0x3FFC];
	_ =	sdelay $0x3  }
0x94: {  	_ =	strace s3  }
0x95: {  	s3 =	sld [smem:$0x3FFD];
	_ =	sdelay $0x3  }
0x96: {  	_ =	strace s3  }
0x97: {  	_ =	strace $0x8FFFFFFF  }
0x98: {  	s19 =	sld [smem:$0x3FDB];
	_ =	sdelay $0x1  }
0x99: {  	s4 =	simm.s32 $_scs_section_size  }
0x9a: {  	s5 =	simm.s32 $_size__tile_overlayer_lowered;
	s6 =	simm.s32 $_tile_overlayer_lowered  }
0x9b: {  	s22 =	simm.s32 $0x1BFF;
	s21 =	sshll.u32 s6, $0x1;
	s3 =	sadd.s32 s4, s19  }
0x9c: {  	s7 =	simm.s32 $0x0;
	s20 =	sshll.u32 s5, $0x1;
	s5 =	sadd.s32 s21, s3  }
0x9d: {  	[timem:s7], [sflag:s22] =	dma.local [hbm:s5], s20  }
0x9e: {  	_ =	swait.ge [sflag:s22], s20  }
0x9f: {  	s4 =	ssub.s32 $0x0, s20;
	[sflag:s22] =	ssyncset.done $0x0  }
0xa0: {  	[sflag:s22] =	ssyncadd.s32 s4;
	_ =	sdelay $0x1  }
0xa1: {  	s23 =	simm.s32 $0x1B8B  }
0xa2: {  	_ =	swait.ge [sflag:s23], $0x1  }
0xa3: {  	[sflag:s23] =	ssyncset.done $0x0  }
0xa4: {  	s25 =	simm.s32 $0x1B8E;
	s24 =	sld [smem:$0x3FFE];
	[sflag:s23] =	ssyncadd.s32 $0xFFFFFFFF  }
0xa5: {  	s26 =	simm.s32 $execute0_lowered;
	[smem:$0x3FD2] =	sst s25  }
0xa6: {  	s5 =	sshll.u32 s26, $0x1;
	_ =	strace $0x8000004C;
	[dreg:$0x1] =	wrdreg $0xFFFFFFFF  }
0xa7: {  	s28 =	simm.s32 $_size_execute0_lowered;
	s3 =	sadd.s32 s3, s5;
	[dreg:$0x0] =	wrdreg $0x0  }
0xa8: {  	s5 =	sshll.u32 s28, $0x1;
	[dreg:$0x2] =	wrdreg s3  }
0xa9: {  	[dreg:$0x3] =	wrdreg s5  }
0xaa: {  	[dreg:$0x4] =	wrdreg $0xC0  }
0xab: {  	_ =	task [dreg:s7], $0x5FFFF  }
0xac: {  	[dreg:$0x1] =	wrdreg $0xFFFFFFFF  }
0xad: {  	[dreg:$0x0] =	wrdreg $0x60  }
0xae: {  	[dreg:$0x2] =	wrdreg s24  }
0xaf: {  	[dreg:$0x3] =	wrdreg s2  }
0xb0: {  	[dreg:$0x4] =	wrdreg $0x90000  }
0xb1: {  	[dreg:$0x5] =	wrdreg $0x9  }
0xb2: {  	_ =	task.clear_ibuf [dreg:s7], $0x6FFFF;
	_ =	strace $0x9000004C  }
0xb3: {  	s29 =	simm.s32 $0x9;
	_ =	strace $0x8000004E  }
0xb4: {  	_ =	swait.ge [sflag:s29], $0x1  }
0xb5: {  	[sflag:s29] =	ssyncadd.s32 $0xFFFFFFFF  }
0xb6: {  	_ =	strace $0x9000004E  }
0xb7: {  	_ =	sfence  }
0xb8: {  	s30 =	sld [smem:$0x0];
	_ =	sdelay $0x2  }
0xb9: {  	s31 =	sshll.u32 s1, $0xD;
	s1 =	sshrl.u32 s1, $0x2  }
0xba: {  	s3 =	sand.u32 $0x4000, s31;
	s1 =	sadd.s32 s1, s30  }
0xbb: {  	s0 =	sor.u32 s3, s0;
	s1 =	sshll.u32 s1, $0x11  }
0xbc: {  	s0 =	sor.u32 s1, s0  }
0xbd: {  	s0 =	sadd.s32 $0x8F2B, s0  }
0xbe: {  	[sflag:s0] =	ssyncadd.remote.s32 $0x1  }
0xbf: {  	_ =	sfence.sel $0xFFFF  }
0xc0: {  	[dreg:$0x0] =	wrdreg $0xFFFFFFFF;
	(pc) =	sbr.abs _section_cstart, $3  }
0xc1: {  	[dreg:$0x1] =	wrdreg $0xFFFFFFFF  }
0xc2: {  	_ =	task.clear_ibuf [dreg:s7], $0x2FFFF;
	_ =	strace $0x9FFFFFFF  }
0xc3: {  	(tm) =	ssettm $0x7FFFFFFF  }
tec
execute0_lowered:
.L_overlay_start_1:
0x0: {  	(tag) =	ssettag $0x1  }
0x1: {  	s6 =	rddreg [dreg:$0x0];
	s1 =	srdreg.scid  }
0x2: {  	s0 =	stileid.u32;
	s8 =	rddreg [dreg:$0x1]  }
0x3: {  	s2 =	rddreg [dreg:$0x2];
	s3 =	simm.s32 $0x0;
	s17 =	simm.s32 $0x7D  }
0x4: {  	s18 =	simm.s32 $0x5000;
	s19 =	simm.s32 $0x1;
	s20 =	simm.s32 $0x0  }
0x5: {  	s5 =	sand.u32 $0x1, s1;
	s1 =	rddreg [dreg:$0x3];
	s7 =	smul.u32 $0x2700, s0  }
0x6: {  	s25 =	sshll.u32 s0, $0x1;
	[smem:$0x7FF] =	sst s3;
	s12 =	smul.u32 $0x4E000, s0  }
0x7: {  	s13 =	sadd.s32 $0xA9A00, s6;
	s28 =	smul.u32 $0x13800, s0;
	s16 =	sadd.s32 $0x124800, s2  }
0x8: {  	p0 =	seq.s32 s0, $0xF;
	s4 =	sor.u32 s5, s25;
	s15 =	smul.u32 $0x138800, s5  }
0x9: {  	_ =	strace $0x8000004D;
	s11 =	ssub.s32 $0x2, s5;
	s9 =	smul.u32 $0x500, s4  }
0xa: {  	s4 =	sadd.s32 $0x51000, s6;
	s7 =	sadd.s32 s7, s6;
	s14 =	sshrl.u32 s11, $0x1  }
0xb: {  	s26 =	sshrl.u32 s12, $0x2;
	s12 =	sshrl.u32 @p0 s16, $0x3;
	s16 =	simm.s32 $0x2800  }
0xc: {  	s11 =	ssub.s32 s11, s14;
	s14 =	sadd.s32 s26, s2;
	s5 =	sadd.s32 $0x82800, s7  }
0xd: {  	s29 =	sadd.s32 s28, s15;
	s31 =	sshrl.u32 s15, $0x3;
	s15 =	simm.s32 $0x2  }
0xe: {  	s10 =	sadd.s32 s9, s6;
	s6 =	sadd.s32 $0xA7100, s6;
	s8 =	sadd.s32 s8, s9  }
0xf: {  	s30 =	sshrl.u32 s29, $0x3;
	s11 =	smax.u32 s11, $0x1;
	s7 =	sadd.s32 $0x78800, s10  }
0x10: {  	s9 =	sadd.s32 s13, s30;
	s10 =	sadd.s32 s13, s31;
	s13 =	sshll.u32 @!p0 s0, $0x6  }
0x11: {  	s14 =	sshrl.u32 @!p0 s14, $0x3;
	s10 =	sadd.s32 $0x24900, s10;
	s13 =	sor.u32 @!p0 $0x1C02, s13  }
.LBB2_1:
0x12: {  	s21 =	simm.s32 @p0 $0x1FC2  }
0x13: {  	[spmem:s12], [sflag:s21] =	dma.local @p0 [hbm:s6], $0x2800  }
0x14: {  	s21 =	simm.s32 @p0 $0x2  }
0x15: {  	_ =	swait.ge @p0 [sflag:s21], $0x2800  }
0x16: {  	[sflag:s21] =	ssyncset.done @p0 $0x0  }
0x17: {  	[sflag:s21] =	ssyncadd.s32 @p0 $0xFFFFD800;
	s21 =	simm.s32 @!p0 $0x2  }
0x18: {  	[spmem:s14], [sflag:s13] =	dma.local @!p0 [hbm:s5], $0x2700  }
0x19: {  	_ =	swait.ge @!p0 [sflag:s21], $0x2700  }
0x1a: {  	[sflag:s21] =	ssyncset.done @!p0 $0x0  }
0x1b: {  	[sflag:s21] =	ssyncadd.s32 @!p0 $0xFFFFD900  }
0x1c: {  	[tilespmem:s3], [sflag:$0x2] =	stream.linear.gather [hbm4b:s7+s3], $0x2800, $0x38;
	[tilespmem:$0x1C880] =	vst v63  }
0x1d: {  	_ =	swait.ge [sflag:s15], $0x2800  }
0x1e: {  	[sflag:s15] =	ssyncset.done $0x0  }
0x1f: {  	[sflag:s15] =	ssyncadd.s32 $0xFFFFD800  }
0x20: {  	[tilespmem:s16], [sflag:$0x2] =	stream.linear.gather [hbm4b:s8+s3], $0x2800, $0x38;
	[tilespmem:$0x1C880] =	vst v63  }
0x21: {  	_ =	swait.ge [sflag:s15], $0x2800  }
0x22: {  	[sflag:s15] =	ssyncset.done $0x0  }
0x23: {  	[sflag:s15] =	ssyncadd.s32 $0xFFFFD800  }
0x24: {  	s30 =	simm.s32 $0x0;
	[bflag:$0x0] =	sbarrier.arrive $0xFFFF  }
0x25: {  	[tilespmem:s18], [sflag:$0x1] =	stream.indirect.gather [hbm4b:s4+s17], $0x80, s30, s17, $0xb8;
	[tilespmem:$0x1C880] =	vst v63  }
0x26: {  	_ =	swait.ge [sflag:s19], $0x3E80  }
0x27: {  	[sflag:s19] =	ssyncset.done $0x0  }
0x28: {  	s31 =	simm.s32 $0x2800;
	[sflag:s19] =	ssyncadd.s32 $0xFFFFC180  }
0x29: {  	[spmem:s2] =	stream.indirect.scatter.add.f32 [tilespmem:s18], [sflag:$0x2], $0x80, s31, s17, $0xb8;
	[tilespmem:$0x1C880] =	vst v63  }
0x2a: {  	_ =	swait.ge [sflag:s15], $0x3E80  }
0x2b: {  	s22 =	simm.s32 $0x400;
	s21 =	simm.s32 $0x200;
	[sflag:s15] =	ssyncset.done $0x0  }
.LBB2_2:
0x2c: {  	s23 =	sshra.s32 s21, $0x2  }
0x2d: {  	[sflag:s15] =	ssyncadd.s32 $0xFFFFC180;
	s21 =	smov.u32 s22;
	s24 =	sadd.s32 $0x200, s22  }
0x2e: {  	[tilespmem:s18], [sflag:$0x1] =	stream.indirect.gather [hbm4b:s4+s17], $0x80, s23, s17, $0xb8;
	[tilespmem:$0x1C880] =	vst v63  }
0x2f: {  	p1 =	sne.s32 s22, $0x9E00;
	_ =	swait.ge [sflag:s19], $0x3E80  }
.Ltmp0:
0x30: {  	[sflag:s19] =	ssyncset.done $0x0;
	(pc) =	sbr.rel @p1 .LBB2_2-.Ltmp0, $4  }
0x31: {  	s22 =	sadd.s32 $0x2800, s23;
	[sflag:s19] =	ssyncadd.s32 $0xFFFFC180  }
0x32: {  	[spmem:s2] =	stream.indirect.scatter.add.f32 [tilespmem:s18], [sflag:$0x2], $0x80, s22, s17, $0xb8;
	[tilespmem:$0x1C880] =	vst v63  }
0x33: {  	_ =	swait.ge [sflag:s15], $0x3E80  }
0x34: {  	s22 =	smov.u32 s24;
	[sflag:s15] =	ssyncset.done $0x0  }
0x35: {  	s21 =	sshra.s32 s21, $0x2;
	[sflag:s15] =	ssyncadd.s32 $0xFFFFC180  }
0x36: {  	[tilespmem:s18], [sflag:$0x1] =	stream.indirect.gather [hbm4b:s4+s17], $0x80, s21, s17, $0xb8;
	[tilespmem:$0x1C880] =	vst v63  }
0x37: {  	_ =	swait.ge [sflag:s19], $0x3E80  }
0x38: {  	[sflag:s19] =	ssyncset.done $0x0  }
0x39: {  	s21 =	sadd.s32 $0x2800, s21;
	[sflag:s19] =	ssyncadd.s32 $0xFFFFC180  }
0x3a: {  	[spmem:s2] =	stream.indirect.scatter.add.f32 [tilespmem:s18], [sflag:$0x2], $0x80, s21, s17, $0xb8;
	[tilespmem:$0x1C880] =	vst v63  }
0x3b: {  	_ =	swait.ge [sflag:s15], $0x3E80  }
0x3c: {  	[sflag:s15] =	ssyncset.done $0x0  }
0x3d: {  	[sflag:s15] =	ssyncadd.s32 $0xFFFFC180  }
0x3e: {  	s21 =	simm.s32 @p0 $0x1FC2;
	[bflag:$0x0] =	sbarrier.arrive $0xFFFF  }
0x3f: {  	[hbm:s10], [sflag:s21] =	dma.local @p0 [spmem:s12], $0x2800  }
0x40: {  	s21 =	simm.s32 @p0 $0x2  }
0x41: {  	s20 =	sadd.s32 $0x1, s20;
	_ =	swait.ge @p0 [sflag:s21], $0x2800  }
0x42: {  	p1 =	sne.s32 s20, s11;
	[sflag:s21] =	ssyncset.done @p0 $0x0  }
.Ltmp1:
0x43: {  	[sflag:s21] =	ssyncadd.s32 @p0 $0xFFFFD800;
	s21 =	simm.s32 @!p0 $0x2;
	(pc) =	sbr.rel @p1 .LBB2_1-.Ltmp1, $4  }
0x44: {  	[hbm:s9], [sflag:s13] =	dma.local @!p0 [spmem:s14], $0x2700  }
0x45: {  	_ =	swait.ge @!p0 [sflag:s21], $0x2700  }
0x46: {  	[sflag:s21] =	ssyncset.done @!p0 $0x0  }
0x47: {  	[sflag:s21] =	ssyncadd.s32 @!p0 $0xFFFFD900  }
0x48: {  	_ =	sfence.sel $0x180000  }
0x49: {  	[bflag:$0x0] =	sbarrier.arrive $0xFFFF  }
0x4a: {  	p0 =	sne.s32 s0, $0x0;
	_ =	strace $0x9000004D  }
0x4b: {  	s0 =	sadd.s32 @!p0 $0x100000, s1;
	[bflag:$0x2] =	sbarrier.arrive $0xFFFF  }
0x4c: {  	[sflag:s0] =	ssyncadd.tile.s32 @!p0 $0x1;
	_ =	shalt  }
.Lfunc_end2:
_tile_overlayer_lowered:
.L_overlay_start_2:
0x4d: {  	(tag) =	ssettag $0x2  }
0x4e: {  	s0 =	rddreg [dreg:$0x0];
	s2 =	stileid.u32  }
0x4f: {  	s1 =	rddreg [dreg:$0x1];
	p0 =	sne.s32 s2, $0x0  }
0x50: {  	s3 =	rddreg [dreg:$0x2];
	[bflag:$0x3] =	sbarrier.arrive $0xFFFF;
	s2 =	simm.s32 @!p0 $0x1C02  }
0x51: {  	[timem:s3], [sflag:s2] =	dma.local @!p0 [hbm:s0], s1  }
0x52: {  	s0 =	simm.s32 @!p0 $0x2  }
0x53: {  	_ =	swait.ge @!p0 [sflag:s0], s1  }
0x54: {  	s1 =	ssub.s32 @!p0 $0x0, s1;
	[sflag:s0] =	ssyncset.done @!p0 $0x0  }
0x55: {  	[sflag:s0] =	ssyncadd.s32 @!p0 s1  }
0x56: {  	[bflag:$0x3] =	sbarrier.arrive $0xFFFF  }
0x57: {  	_ =	shalt  }

// kernel: kernel.8.cloned.1.call-start
scs
__scs_entry_jumppad:
0x0: {  	(pc) =	sbr.rel $0x88, $3  }
0x1: {  	(tag) =	ssettag $0x0;
	lr =	simm.s32 $0x1  }
0x2: {  	[smem:$0x3F9B] =	sst lr;
	_ =	strace $0xD0000000  }
0x3: {  	_ = 	snop  }
0x4: {  	_ = 	snop  }
0x5: {  	_ = 	snop  }
0x6: {  	_ = 	snop  }
0x7: {  	_ = 	snop  }
__scs_overlays_trampoline_lowered:
0x8: {  	[smem:$0x3FAA] =	sst s0  }
0x9: {  	[smem:$0x3FAB] =	sst s1  }
0xa: {  	[smem:$0x3FAC] =	sst s2  }
0xb: {  	[smem:$0x3FAD] =	sst s3  }
0xc: {  	[smem:$0x3FAE] =	sst s4  }
0xd: {  	[smem:$0x3FAF] =	sst s5  }
0xe: {  	[smem:$0x3FB0] =	sst s6  }
0xf: {  	[smem:$0x3FB1] =	sst s7  }
0x10: {  	[smem:$0x3FB2] =	sst s8  }
0x11: {  	[smem:$0x3FB3] =	sst s9;
	s0 =	simm.s32 @!p0 $0x0  }
0x12: {  	s1 =	sld [smem:$0x3F99];
	s0 =	simm.s32 @p0 $0x1  }
0x13: {  	[smem:$0x3FB4] =	sst s0;
	s0 =	simm.s32 @!p1 $0x0  }
0x14: {  	s2 =	sld [smem:$0x3F98];
	s0 =	simm.s32 @p1 $0x1  }
0x15: {  	[smem:$0x3FB5] =	sst s0;
	s0 =	simm.s32 @!p2 $0x0  }
0x16: {  	s3 =	sld [smem:$0x3FDB];
	s0 =	simm.s32 @p2 $0x1  }
0x17: {  	s4 =	simm.s32 $0x1BF5;
	[smem:$0x3FB7] =	sst s0  }
0x18: {  	s0 =	sld [smem:$0x3F9A];
	_ =	swait.ge [sflag:s4], $0x0  }
0x19: {  	s7 =	sld [smem:$0x3F9B]  }
0x1a: {  	s8 =	sadd.s32 $0xFFFFE003, lr  }
0x1b: {  	s9 =	sadd.s32 $0xFFFFFEF7, lr;
	s5 =	simm.s32 $0xFFFFFFFF;
	p2 =	slt.u32 s8, $0xFFFFF086  }
0x1c: {  	p1 =	slt.u32 s9, $0xF7A;
	s5 =	simm.s32 @!p2 $0x0  }
0x1d: {  	s5 =	simm.s32 @p1 $0x1;
	p0 =	seq.s32 s7, s2  }
0x1e: {  	s7 =	smul.u32 @!p0 $0xF7A, s2;
	p2 =	seq.s32 @!p0 s5, $0x0  }
0x1f: {  	s9 =	smul.u32 $0xF7A, s1;
	s8 =	simm.s32 @!p0 $0x1BF5;
	p2 =	por !p2, p0  }
0x20: {  	[sflag:s8] =	ssyncset.s32 @!p0 $0xFFFFF086;
	s6 =	sadd.s32 @!p0 s3, s7;
	s7 =	simm.s32 @!p0 $0x108  }
0x21: {  	s3 =	sadd.s32 s3, s9;
	s6 =	sadd.s32 @!p0 $0x88, s6;
	s7 =	simm.s32 @p2 $0x1082  }
0x22: {  	[simem:s7], [sflag:s8] =	dma.local @!p0 [hbm:s6], $0xF7A  }
0x23: {  	s9 =	sor.u32 $0xD0000000, s2;
	s6 =	simm.s32 $0x108;
	_ =	swait.ge @!p0 [sflag:s8], $0x0  }
0x24: {  	s3 =	sadd.s32 $0x88, s3;
	s6 =	simm.s32 @!p1 $0x1082;
	[sflag:s4] =	ssyncset.s32 $0xFFFFF086  }
0x25: {  	[simem:s6], [sflag:s4] =	dma.local [hbm:s3], $0xF7A  }
0x26: {  	[smem:$0x3F9B] =	sst s1;
	(tag) =	ssettag s2;
	_ =	strace s9  }
0x27: {  	s1 =	sld [smem:$0x3FAB]  }
0x28: {  	s2 =	sld [smem:$0x3FAC]  }
0x29: {  	s4 =	sld [smem:$0x3FAE]  }
0x2a: {  	p0 =	seq.s32 s5, $0x0;
	s5 =	sld [smem:$0x3FAF]  }
0x2b: {  	s6 =	sld [smem:$0x3FB0]  }
0x2c: {  	s7 =	sld [smem:$0x3FB1]  }
0x2d: {  	s3 =	simm.s32 $0x108;
	s8 =	sld [smem:$0x3FB2]  }
0x2e: {  	s3 =	simm.s32 @!p0 $0x1082;
	s9 =	sld [smem:$0x3FB3]  }
0x2f: {  	lr =	sadd.s32 s0, s3;
	s0 =	sld [smem:$0x3FAA]  }
0x30: {  	s3 =	sld [smem:$0x3FAD]  }
0x31: {  	[smem:$0x3FB6] =	sst s10  }
0x32: {  	s10 =	sld [smem:$0x3FB4];
	_ =	sdelay $0x3  }
0x33: {  	p0 =	seq.s32 s10, $0x1;
	s10 =	sld [smem:$0x3FB6];
	_ =	sdelay $0x3  }
0x34: {  	[smem:$0x3FB6] =	sst s10  }
0x35: {  	s10 =	sld [smem:$0x3FB5];
	_ =	sdelay $0x3  }
0x36: {  	p1 =	seq.s32 s10, $0x1;
	s10 =	sld [smem:$0x3FB6];
	_ =	sdelay $0x3  }
0x37: {  	[smem:$0x3FB6] =	sst s10  }
0x38: {  	s10 =	sld [smem:$0x3FB7]  }
0x39: {  	_ = 	snop;
	(pc) =	sbr.ind lr, $3  }
0x3a: {  	_ = 	snop  }
0x3b: {  	_ = 	snop  }
0x3c: {  	p2 =	seq.s32 s10, $0x1;
	s10 =	sld [smem:$0x3FB6]  }
0x3d: {  	_ =	shalt  }
0x3e: {  	_ =	shalt  }
0x3f: {  	_ =	shalt  }
0x40: {  	_ =	shalt  }
0x41: {  	_ =	shalt  }
0x42: {  	_ =	shalt  }
0x43: {  	_ =	shalt  }
0x44: {  	_ =	shalt  }
0x45: {  	_ =	shalt  }
0x46: {  	_ =	shalt  }
0x47: {  	_ =	shalt  }
0x48: {  	_ =	shalt  }
0x49: {  	_ =	shalt  }
0x4a: {  	_ =	shalt  }
0x4b: {  	_ =	shalt  }
0x4c: {  	_ =	shalt  }
0x4d: {  	_ =	shalt  }
0x4e: {  	_ =	shalt  }
0x4f: {  	_ =	shalt  }
0x50: {  	_ =	shalt  }
0x51: {  	_ =	shalt  }
0x52: {  	_ =	shalt  }
0x53: {  	_ =	shalt  }
0x54: {  	_ =	shalt  }
0x55: {  	_ =	shalt  }
0x56: {  	_ =	shalt  }
0x57: {  	_ =	shalt  }
0x58: {  	_ =	shalt  }
0x59: {  	_ =	shalt  }
0x5a: {  	_ =	shalt  }
0x5b: {  	_ =	shalt  }
0x5c: {  	_ =	shalt  }
0x5d: {  	_ =	shalt  }
0x5e: {  	_ =	shalt  }
0x5f: {  	_ =	shalt  }
0x60: {  	_ =	shalt  }
0x61: {  	_ =	shalt  }
0x62: {  	_ =	shalt  }
0x63: {  	_ =	shalt  }
0x64: {  	_ =	shalt  }
0x65: {  	_ =	shalt  }
0x66: {  	_ =	shalt  }
0x67: {  	_ =	shalt  }
0x68: {  	_ =	shalt  }
0x69: {  	_ =	shalt  }
0x6a: {  	_ =	shalt  }
0x6b: {  	_ =	shalt  }
0x6c: {  	_ =	shalt  }
0x6d: {  	_ =	shalt  }
0x6e: {  	_ =	shalt  }
0x6f: {  	_ =	shalt  }
0x70: {  	_ =	shalt  }
0x71: {  	_ =	shalt  }
0x72: {  	_ =	shalt  }
0x73: {  	_ =	shalt  }
0x74: {  	_ =	shalt  }
0x75: {  	_ =	shalt  }
0x76: {  	_ =	shalt  }
0x77: {  	_ =	shalt  }
0x78: {  	_ =	shalt  }
0x79: {  	_ =	shalt  }
0x7a: {  	_ =	shalt  }
0x7b: {  	_ =	shalt  }
0x7c: {  	_ =	shalt  }
0x7d: {  	_ =	shalt  }
0x7e: {  	_ =	shalt  }
0x7f: {  	_ =	shalt  }
0x80: {  	_ =	shalt  }
0x81: {  	_ =	shalt  }
0x82: {  	_ =	shalt  }
0x83: {  	_ =	shalt  }
0x84: {  	_ =	shalt  }
0x85: {  	_ =	shalt  }
0x86: {  	_ =	shalt  }
0x87: {  	_ =	shalt  }
.Lfunc_end0:
.L_simem_size_0:
called_computation_lowered:
.L_overlay_start_0:
0x88: {  	s2 =	sld [smem:$0x3FD9]  }
0x89: {  	s3 =	sld [smem:$0x3FFE];
	_ =	sdelay $0x1  }
0x8a: {  	s1 =	srdreg.scid  }
0x8b: {  	s0 =	sand.u32 $0x1, s1  }
0x8c: {  	s17 =	sshll.u32 s0, $0xA;
	s2 =	sadd.s32 s3, s2  }
0x8d: {  	s2 =	sadd.s32 s2, s17  }
0x8e: {  	[smem:$0x3FC2] =	sst s2  }
0x8f: {  	_ = 	snop  }
0x90: {  	s2 =	sld [smem:$0x3FD0];
	(tm) =	ssettm $0x1  }
0x91: {  	s18 =	sld [smem:$0x3FFB];
	_ =	sdelay $0x3  }
0x92: {  	_ =	strace s18  }
0x93: {  	s3 =	sld [smem:$0x3FFC];
	_ =	sdelay $0x3  }
0x94: {  	_ =	strace s3  }
0x95: {  	s3 =	sld [smem:$0x3FFD];
	_ =	sdelay $0x3  }
0x96: {  	_ =	strace s3  }
0x97: {  	_ =	strace $0x8FFFFFFF  }
0x98: {  	s19 =	sld [smem:$0x3FDB];
	_ =	sdelay $0x1  }
0x99: {  	s4 =	simm.s32 $_scs_section_size  }
0x9a: {  	s5 =	simm.s32 $_size__tile_overlayer_lowered;
	s6 =	simm.s32 $_tile_overlayer_lowered  }
0x9b: {  	s22 =	simm.s32 $0x1BFF;
	s21 =	sshll.u32 s6, $0x1;
	s3 =	sadd.s32 s4, s19  }
0x9c: {  	s7 =	simm.s32 $0x0;
	s20 =	sshll.u32 s5, $0x1;
	s5 =	sadd.s32 s21, s3  }
0x9d: {  	[timem:s7], [sflag:s22] =	dma.local [hbm:s5], s20  }
0x9e: {  	_ =	swait.ge [sflag:s22], s20  }
0x9f: {  	s4 =	ssub.s32 $0x0, s20;
	[sflag:s22] =	ssyncset.done $0x0  }
0xa0: {  	[sflag:s22] =	ssyncadd.s32 s4;
	_ =	sdelay $0x1  }
0xa1: {  	s23 =	simm.s32 $0x1B8B  }
0xa2: {  	_ =	swait.ge [sflag:s23], $0x1  }
0xa3: {  	[sflag:s23] =	ssyncset.done $0x0  }
0xa4: {  	s25 =	simm.s32 $0x1B8E;
	s24 =	sld [smem:$0x3FFE];
	[sflag:s23] =	ssyncadd.s32 $0xFFFFFFFF  }
0xa5: {  	s26 =	simm.s32 $execute0_lowered;
	[smem:$0x3FD2] =	sst s25  }
0xa6: {  	s5 =	sshll.u32 s26, $0x1;
	_ =	strace $0x80000046;
	[dreg:$0x1] =	wrdreg $0xFFFFFFFF  }
0xa7: {  	s28 =	simm.s32 $_size_execute0_lowered;
	s3 =	sadd.s32 s3, s5;
	[dreg:$0x0] =	wrdreg $0x0  }
0xa8: {  	s5 =	sshll.u32 s28, $0x1;
	[dreg:$0x2] =	wrdreg s3  }
0xa9: {  	[dreg:$0x3] =	wrdreg s5  }
0xaa: {  	[dreg:$0x4] =	wrdreg $0xC0  }
0xab: {  	_ =	task [dreg:s7], $0x5FFFF  }
0xac: {  	[dreg:$0x1] =	wrdreg $0xFFFFFFFF  }
0xad: {  	[dreg:$0x0] =	wrdreg $0x60  }
0xae: {  	[dreg:$0x2] =	wrdreg s2  }
0xaf: {  	[dreg:$0x3] =	wrdreg s24  }
0xb0: {  	[dreg:$0x4] =	wrdreg $0x68000  }
0xb1: {  	[dreg:$0x5] =	wrdreg $0x9  }
0xb2: {  	_ =	task.clear_ibuf [dreg:s7], $0x6FFFF;
	_ =	strace $0x90000046  }
0xb3: {  	s29 =	simm.s32 $0x9;
	_ =	strace $0x80000048  }
0xb4: {  	_ =	swait.ge [sflag:s29], $0x1  }
0xb5: {  	[sflag:s29] =	ssyncadd.s32 $0xFFFFFFFF  }
0xb6: {  	_ =	strace $0x90000048  }
0xb7: {  	_ =	sfence  }
0xb8: {  	s30 =	sld [smem:$0x0];
	_ =	sdelay $0x2  }
0xb9: {  	s31 =	sshll.u32 s1, $0xD;
	s1 =	sshrl.u32 s1, $0x2  }
0xba: {  	s3 =	sand.u32 $0x4000, s31;
	s1 =	sadd.s32 s1, s30  }
0xbb: {  	s0 =	sor.u32 s3, s0;
	s1 =	sshll.u32 s1, $0x11  }
0xbc: {  	s0 =	sor.u32 s1, s0  }
0xbd: {  	s0 =	sadd.s32 $0x8F2B, s0  }
0xbe: {  	[sflag:s0] =	ssyncadd.remote.s32 $0x1  }
0xbf: {  	_ =	sfence.sel $0xFFFF  }
0xc0: {  	[dreg:$0x0] =	wrdreg $0xFFFFFFFF;
	(pc) =	sbr.abs _section_cstart, $3  }
0xc1: {  	[dreg:$0x1] =	wrdreg $0xFFFFFFFF  }
0xc2: {  	_ =	task.clear_ibuf [dreg:s7], $0x2FFFF;
	_ =	strace $0x9FFFFFFF  }
0xc3: {  	(tm) =	ssettm $0x7FFFFFFF  }
tec
execute0_lowered:
.L_overlay_start_1:
0x0: {  	(tag) =	ssettag $0x1  }
0x1: {  	s7 =	rddreg [dreg:$0x0]  }
0x2: {  	s6 =	rddreg [dreg:$0x1]  }
0x3: {  	s1 =	rddreg [dreg:$0x2]  }
0x4: {  	s0 =	rddreg [dreg:$0x3];
	s3 =	simm.s32 $0x0;
	s4 =	srdreg.scid  }
0x5: {  	s2 =	stileid.u32;
	s16 =	simm.s32 $0x7D;
	s17 =	simm.s32 $0x0  }
0x6: {  	[smem:$0x7FF] =	sst s3;
	s5 =	sand.u32 $0x1, s4;
	s8 =	smul.u32 $0x2700, s2  }
0x7: {  	s4 =	sadd.s32 $0x29E00, s6;
	s11 =	smul.u32 $0x4E000, s2;
	s12 =	sadd.s32 $0x2A600, s6  }
0x8: {  	s24 =	sshll.u32 s2, $0x1;
	s25 =	smul.u32 $0x13800, s2;
	s15 =	sadd.s32 $0x124800, s1  }
0x9: {  	p0 =	seq.s32 s2, $0xF;
	_ =	strace $0x80000047;
	s9 =	ssub.s32 $0x2, s5  }
0xa: {  	s13 =	smul.u32 $0x138800, s5;
	s10 =	sshrl.u32 s9, $0x1;
	s8 =	sadd.s32 s8, s6  }
0xb: {  	s11 =	sshrl.u32 s11, $0x2;
	s6 =	sadd.s32 $0x27500, s6;
	s10 =	ssub.s32 s9, s10  }
0xc: {  	s9 =	sor.u32 s5, s24;
	s14 =	sadd.s32 s11, s1;
	s5 =	sadd.s32 $0x2C00, s8  }
0xd: {  	s28 =	sadd.s32 s25, s13;
	s29 =	sshrl.u32 s13, $0x3;
	s11 =	sshrl.u32 @p0 s15, $0x3  }
0xe: {  	s15 =	simm.s32 $0x2800;
	s26 =	smul.u32 $0x500, s9;
	s30 =	sshrl.u32 s28, $0x3  }
0xf: {  	s31 =	sadd.s32 s12, s29;
	s10 =	smax.u32 s10, $0x1;
	s13 =	sshrl.u32 @!p0 s14, $0x3  }
0x10: {  	s14 =	simm.s32 $0x1;
	s8 =	sadd.s32 s12, s30;
	s12 =	sshll.u32 @!p0 s2, $0x6  }
0x11: {  	s9 =	sadd.s32 $0x24900, s31;
	s7 =	sadd.s32 s7, s26;
	s12 =	sor.u32 @!p0 $0x1C01, s12  }
.LBB2_1:
0x12: {  	s18 =	simm.s32 @p0 $0x1FC1  }
0x13: {  	[spmem:s11], [sflag:s18] =	dma.local @p0 [hbm:s6], $0x2800  }
0x14: {  	s18 =	simm.s32 @p0 $0x1  }
0x15: {  	_ =	swait.ge @p0 [sflag:s18], $0x2800  }
0x16: {  	[sflag:s18] =	ssyncset.done @p0 $0x0  }
0x17: {  	[sflag:s18] =	ssyncadd.s32 @p0 $0xFFFFD800;
	s18 =	simm.s32 @!p0 $0x1  }
0x18: {  	[spmem:s13], [sflag:s12] =	dma.local @!p0 [hbm:s5], $0x2700  }
0x19: {  	_ =	swait.ge @!p0 [sflag:s18], $0x2700  }
0x1a: {  	[sflag:s18] =	ssyncset.done @!p0 $0x0  }
0x1b: {  	[sflag:s18] =	ssyncadd.s32 @!p0 $0xFFFFD900  }
0x1c: {  	[tilespmem:s3], [sflag:$0x1] =	stream.linear.gather [hbm4b:s7+s3], $0x2800, $0x38;
	[tilespmem:$0x8F10] =	vst v63  }
0x1d: {  	_ =	swait.ge [sflag:s14], $0x2800  }
0x1e: {  	[sflag:s14] =	ssyncset.done $0x0  }
0x1f: {  	[sflag:s14] =	ssyncadd.s32 $0xFFFFD800  }
0x20: {  	[tilespmem:s15], [sflag:$0x1] =	stream.linear.gather [hbm4b:s4+s3], $0x3E80, $0x38;
	[tilespmem:$0x8F10] =	vst v63  }
0x21: {  	_ =	swait.ge [sflag:s14], $0x3E80  }
0x22: {  	[sflag:s14] =	ssyncset.done $0x0  }
0x23: {  	[sflag:s14] =	ssyncadd.s32 $0xFFFFC180  }
0x24: {  	s31 =	simm.s32 $0x0;
	[bflag:$0x0] =	sbarrier.arrive $0xFFFF  }
0x25: {  	[spmem:s1] =	stream.indirect.scatter.add.f32 [tilespmem:s15], [sflag:$0x1], $0x10, s31, s16, $0xb8;
	[tilespmem:$0x8F10] =	vst v63  }
0x26: {  	_ =	swait.ge [sflag:s14], $0x7D0  }
0x27: {  	s18 =	simm.s32 $0x200;
	[sflag:s14] =	ssyncset.done $0x0  }
.LBB2_2:
0x28: {  	s19 =	sshra.s32 s18, $0x2;
	[sflag:s14] =	ssyncadd.s32 $0xFFFFF830;
	p1 =	sne.s32 s18, $0x9E00  }
0x29: {  	[spmem:s1] =	stream.indirect.scatter.add.f32 [tilespmem:s15], [sflag:$0x1], $0x10, s19, s16, $0xb8;
	[tilespmem:$0x8F10] =	vst v63  }
.Ltmp0:
0x2a: {  	_ = 	snop;
	(pc) =	sbr.rel @p1 .LBB2_2-.Ltmp0, $4  }
0x2b: {  	_ = 	snop  }
0x2c: {  	s18 =	sadd.s32 $0x200, s18  }
0x2d: {  	_ =	swait.ge [sflag:s14], $0x7D0  }
0x2e: {  	[sflag:s14] =	ssyncset.done $0x0  }
0x2f: {  	[sflag:s14] =	ssyncadd.s32 $0xFFFFF830  }
0x30: {  	s18 =	simm.s32 @p0 $0x1FC1;
	[bflag:$0x0] =	sbarrier.arrive $0xFFFF  }
0x31: {  	[hbm:s9], [sflag:s18] =	dma.local @p0 [spmem:s11], $0x2800  }
0x32: {  	s18 =	simm.s32 @p0 $0x1  }
0x33: {  	s17 =	sadd.s32 $0x1, s17;
	_ =	swait.ge @p0 [sflag:s18], $0x2800  }
0x34: {  	p1 =	sne.s32 s17, s10;
	[sflag:s18] =	ssyncset.done @p0 $0x0  }
.Ltmp1:
0x35: {  	[sflag:s18] =	ssyncadd.s32 @p0 $0xFFFFD800;
	s18 =	simm.s32 @!p0 $0x1;
	(pc) =	sbr.rel @p1 .LBB2_1-.Ltmp1, $4  }
0x36: {  	[hbm:s8], [sflag:s12] =	dma.local @!p0 [spmem:s13], $0x2700  }
0x37: {  	_ =	swait.ge @!p0 [sflag:s18], $0x2700  }
0x38: {  	[sflag:s18] =	ssyncset.done @!p0 $0x0  }
0x39: {  	[sflag:s18] =	ssyncadd.s32 @!p0 $0xFFFFD900  }
0x3a: {  	_ =	sfence.sel $0x180000  }
0x3b: {  	[bflag:$0x0] =	sbarrier.arrive $0xFFFF  }
0x3c: {  	p0 =	sne.s32 s2, $0x0;
	_ =	strace $0x90000047  }
0x3d: {  	s0 =	sadd.s32 @!p0 $0x100000, s0;
	[bflag:$0x2] =	sbarrier.arrive $0xFFFF  }
0x3e: {  	[sflag:s0] =	ssyncadd.tile.s32 @!p0 $0x1;
	_ =	shalt  }
.Lfunc_end2:
_tile_overlayer_lowered:
.L_overlay_start_2:
0x3f: {  	(tag) =	ssettag $0x2  }
0x40: {  	s0 =	rddreg [dreg:$0x0];
	s2 =	stileid.u32  }
0x41: {  	s1 =	rddreg [dreg:$0x1];
	p0 =	sne.s32 s2, $0x0  }
0x42: {  	s3 =	rddreg [dreg:$0x2];
	[bflag:$0x3] =	sbarrier.arrive $0xFFFF;
	s2 =	simm.s32 @!p0 $0x1C01  }
0x43: {  	[timem:s3], [sflag:s2] =	dma.local @!p0 [hbm:s0], s1  }
0x44: {  	s0 =	simm.s32 @!p0 $0x1  }
0x45: {  	_ =	swait.ge @!p0 [sflag:s0], s1  }
0x46: {  	s1 =	ssub.s32 @!p0 $0x0, s1;
	[sflag:s0] =	ssyncset.done @!p0 $0x0  }
0x47: {  	[sflag:s0] =	ssyncadd.s32 @!p0 s1  }
0x48: {  	[bflag:$0x3] =	sbarrier.arrive $0xFFFF  }
0x49: {  	_ =	shalt  }

</sc_bundles>
